<compile_context>
chip_gen: v7x
topology: tpu7x:2x2x1
jax: 0.10.2.dev20260603
libtpu: 0.0.44.dev20260713+nightly
codegen_flags: <defaults>
</compile_context>

<pallas_src>
import jax
import jax.numpy as jnp
from jax import lax
from jax.experimental import pallas as pl
from jax.experimental.pallas import tpu as pltpu
from jax.experimental.pallas import tpu_sc as plsc

N = 10000
E = 320000
D = 128
G = 64
K = 128
OVD = K - 2

NC, NS = 2, 16
EPT1 = E // NS
EPT2 = E // (NC * NS)
CH1 = 2000
CH2 = 2000
ZB = 8000
CSLICE = (N * K) // NS


def _sc_body(e_hbm, out0_hbm, out1_hbm, deg_sh, c_sh,
             idx_a, idx_b, dst1_a, dst1_b, dst2_a, dst2_b,
             dval_a, dval_b, fidx_a, fidx_b, ones_v, zbuf_v,
             sg_a, sg_b, ss_a, ss_b, sz_a, sz_b):
    cid = lax.axis_index("c")
    sid = lax.axis_index("s")
    ones16 = jnp.ones((16,), jnp.float32)
    zeros16 = jnp.zeros((16,), jnp.float32)
    idxs = [idx_a, idx_b]
    dst1s = [dst1_a, dst1_b]
    dst2s = [dst2_a, dst2_b]
    dvals = [dval_a, dval_b]
    fidxs = [fidx_a, fidx_b]
    sgs = [sg_a, sg_b]
    sss = [ss_a, ss_b]

    def fill_zero(i, _):
        zbuf_v[pl.ds(i * 16, 16)] = zeros16
        return 0
    lax.fori_loop(0, ZB // 16, fill_zero, 0)

    def fill_one(i, _):
        ones_v[pl.ds(i * 16, 16)] = ones16
        return 0
    lax.fori_loop(0, CH2 // 16, fill_one, 0)

    hz = []
    for z in range(CSLICE // ZB):
        hz.append(pltpu.async_copy(
            zbuf_v, c_sh.at[pl.ds(sid * CSLICE + z * ZB, ZB)], sgs[z & 1]))

    @pl.when(sid == 0)
    def _():
        pltpu.sync_copy(zbuf_v, deg_sh.at[pl.ds(0, ZB)])
        pltpu.sync_copy(zbuf_v.at[pl.ds(0, N - ZB)],
                        deg_sh.at[pl.ds(ZB, N - ZB)])

    for h in hz:
        h.wait()
    plsc.subcore_barrier()

    dst1s4 = [dst1_a, dst1_b, idx_a, idx_b]
    ss4 = [ss_a, ss_b, sz_a, sz_b]
    hs = [None, None, None, None]
    for j in range(EPT1 // CH1):
        b = j & 3
        if hs[b] is not None:
            hs[b].wait()
        pltpu.sync_copy(e_hbm.at[pl.ds(E + sid * EPT1 + j * CH1, CH1)],
                        dst1s4[b])
        hs[b] = pltpu.async_copy(ones_v, deg_sh.at[dst1s4[b]], ss4[b],
                                 add=True)
    for h in hs:
        h.wait()

    plsc.subcore_barrier()

    base = cid * (E // NC) + sid * EPT2
    NJ = EPT2 // CH2
    pltpu.sync_copy(e_hbm.at[pl.ds(base, CH2)], idxs[0])
    pltpu.sync_copy(e_hbm.at[pl.ds(E + base, CH2)], dst2s[0])
    hg = [None, None]
    hg[0] = pltpu.async_copy(deg_sh.at[idxs[0]], dvals[0], sgs[0])
    hsc = [None, None]
    mxv = zeros16
    for j in range(NJ):
        b = j & 1
        if hsc[b] is not None:
            hsc[b].wait()
        hg[b].wait()
        if j + 1 < NJ:
            nb = (j + 1) & 1
            pltpu.sync_copy(e_hbm.at[pl.ds(base + (j + 1) * CH2, CH2)],
                            idxs[nb])
            pltpu.sync_copy(e_hbm.at[pl.ds(E + base + (j + 1) * CH2, CH2)],
                            dst2s[nb])
            hg[nb] = pltpu.async_copy(deg_sh.at[idxs[nb]], dvals[nb], sgs[nb])

        dval_c = dvals[b]
        dst_c = dst2s[b]
        fidx_c = fidxs[b]

        def vec(i, mx):
            d = dval_c[pl.ds(i * 16, 16)]
            di = d.astype(jnp.int32)
            dstw = dst_c[pl.ds(i * 16, 16)]
            dc = jnp.minimum(di, OVD)
            fidx_c[pl.ds(i * 16, 16)] = dstw * K + dc
            return jnp.maximum(mx, d)
        mxv = lax.fori_loop(0, CH2 // 16, vec, mxv)
        hsc[b] = pltpu.async_copy(ones_v, c_sh.at[fidx_c], sss[b], add=True)
    for h in hsc:
        if h is not None:
            h.wait()

    mx = mxv[0]
    for t in range(1, 16):
        mx = jnp.maximum(mx, mxv[t])

    @pl.when(mx >= float(OVD))
    def _():
        for j in range(NJ):
            pltpu.sync_copy(e_hbm.at[pl.ds(base + j * CH2, CH2)], idx_a)
            pltpu.sync_copy(e_hbm.at[pl.ds(E + base + j * CH2, CH2)], dst2_a)
            pltpu.sync_copy(deg_sh.at[idx_a], dval_a)

            def ovv(i, _):
                d = dval_a[pl.ds(i * 16, 16)]
                di = d.astype(jnp.int32)
                dstw = dst2_a[pl.ds(i * 16, 16)]
                fidx_a[pl.ds(i * 16, 16)] = dstw * K + (K - 1)
                dval_a[pl.ds(i * 16, 16)] = jnp.where(di >= OVD, d, 0.0)
                return 0
            lax.fori_loop(0, CH2 // 16, ovv, 0)
            pltpu.sync_copy(dval_a, c_sh.at[fidx_a], add=True)

    plsc.subcore_barrier()

    @pl.when(cid == 0)
    def _():
        pltpu.sync_copy(c_sh.at[pl.ds(sid * CSLICE, CSLICE)],
                        out0_hbm.at[pl.ds(sid * CSLICE, CSLICE)])

    @pl.when(cid == 1)
    def _():
        pltpu.sync_copy(c_sh.at[pl.ds(sid * CSLICE, CSLICE)],
                        out1_hbm.at[pl.ds(sid * CSLICE, CSLICE)])


_sc_build = pl.kernel(
    _sc_body,
    out_type=(jax.ShapeDtypeStruct((N * K,), jnp.float32),
              jax.ShapeDtypeStruct((N * K,), jnp.float32)),
    mesh=plsc.VectorSubcoreMesh(core_axis_name="c", subcore_axis_name="s"),
    scratch_types=[
        pltpu.VMEM_SHARED((N,), jnp.float32),
        pltpu.VMEM_SHARED((N * K,), jnp.float32),
        pltpu.VMEM((CH2,), jnp.int32),
        pltpu.VMEM((CH2,), jnp.int32),
        pltpu.VMEM((CH1,), jnp.int32),
        pltpu.VMEM((CH1,), jnp.int32),
        pltpu.VMEM((CH2,), jnp.int32),
        pltpu.VMEM((CH2,), jnp.int32),
        pltpu.VMEM((CH2,), jnp.float32),
        pltpu.VMEM((CH2,), jnp.float32),
        pltpu.VMEM((CH2,), jnp.int32),
        pltpu.VMEM((CH2,), jnp.int32),
        pltpu.VMEM((CH2,), jnp.float32),
        pltpu.VMEM((ZB,), jnp.float32),
        pltpu.SemaphoreType.DMA,
        pltpu.SemaphoreType.DMA,
        pltpu.SemaphoreType.DMA,
        pltpu.SemaphoreType.DMA,
        pltpu.SemaphoreType.DMA,
        pltpu.SemaphoreType.DMA,
    ],
)


def _tc_body(c0_ref, c1_ref, bt_ref, w1_ref, b1_ref, w2_ref, b2_ref, ws_ref,
             bs_ref, out_ref):
    mm = lambda a, b: lax.dot_general(a, b, (((1,), (0,)), ((), ())))
    C = c0_ref[...] + c1_ref[...]
    c1 = jnp.sum(w1_ref[...], axis=0, keepdims=True)
    b1 = b1_ref[...]
    gp = jnp.where(c1 > 0, c1, 0.0)
    g0 = jnp.where(c1 > 0, b1, jnp.where(c1 == 0, jnp.maximum(b1, 0.0), 0.0))
    rowi = lax.broadcasted_iota(jnp.int32, (K, D), 0)
    drow = rowi.astype(jnp.float32)
    F = jnp.maximum(drow * c1 + b1, 0.0)
    F = jnp.where(rowi == OVD, g0, jnp.where(rowi == K - 1, gp, F))
    M = mm(F, w2_ref[...])
    h2 = jnp.maximum(mm(C, M) + b2_ref[...], 0.0)
    v = mm(h2, ws_ref[...])
    bt = bt_ref[...]
    oh = (lax.broadcasted_iota(jnp.int32, (G, N), 0) == bt).astype(jnp.float32)
    counts = jnp.sum(oh, axis=1, keepdims=True)
    sv = mm(oh, v)
    z = sv / jnp.maximum(counts, 1.0) + bs_ref[...]
    out_ref[...] = 1.0 / (1.0 + jnp.exp(-z))


_tc_dense = pl.pallas_call(
    _tc_body,
    out_shape=jax.ShapeDtypeStruct((G, 1), jnp.float32),
)


def kernel(x, edge_index, batch, W1, b1, W2, b2, Ws, bs):
    c0, c1 = _sc_build(edge_index.reshape(2 * E))
    return _tc_dense(c0.reshape(N, K), c1.reshape(N, K), batch.reshape(1, N),
                     W1, b1.reshape(1, D), W2, b2.reshape(1, D), Ws,
                     bs.reshape(1, 1))

# --- scband reference (transcript-rebuilt; emitter-appended) ---
"""Pipeline reference for scband-discriminator-13769665151457 (READ-ONLY COPY).

The authoritative reference and input builder live on the scoring server;
editing this copy changes nothing except your own understanding.
"""

import jax
import jax.numpy as jnp
import numpy as np

N = 10000
E = 320000
D = 128
G = 64


def setup_inputs(seed: int = 0) -> dict:
    key = jax.random.key(seed)
    ks = jax.random.split(key, 10)
    x = jax.random.normal(ks[0], (N, D), dtype=jnp.float32)
    edge_index = jax.random.randint(ks[1], (2, E), 0, N, dtype=jnp.int32)
    batch = jnp.sort(jax.random.randint(ks[2], (N,), 0, G, dtype=jnp.int32))
    # GNN (GraphConvNN-style message passing) parameters, state_dim = 128
    s1 = 1.0 / np.sqrt(D)
    W1 = jax.random.uniform(ks[3], (D, D), jnp.float32, -s1, s1)
    b1 = jax.random.uniform(ks[4], (D,), jnp.float32, -s1, s1)
    W2 = jax.random.uniform(ks[5], (D, D), jnp.float32, -s1, s1)
    b2 = jax.random.uniform(ks[6], (D,), jnp.float32, -s1, s1)
    # score_model: Linear(state_dim, 1) + Sigmoid
    Ws = jax.random.uniform(ks[7], (D, 1), jnp.float32, -s1, s1)
    bs = jax.random.uniform(ks[8], (1,), jnp.float32, -s1, s1)
    return {"x": x, "edge_index": edge_index, "batch": batch,
            "W1": W1, "b1": b1, "W2": W2, "b2": b2, "Ws": Ws, "bs": bs}


def reference(x, edge_index, batch, W1, b1, W2, b2, Ws, bs):
    # Discriminator.forward: replace node features with ones, run GNN, score.
    static_x = jnp.ones_like(x)
    src = edge_index[0]
    dst = edge_index[1]
    # message passing layer 1: gather src features, scatter-add to dst
    agg = jax.ops.segment_sum(static_x[src], dst, num_segments=N)
    h = jax.nn.relu(agg @ W1 + b1)
    # message passing layer 2
    agg = jax.ops.segment_sum(h[src], dst, num_segments=N)
    h = jax.nn.relu(agg @ W2 + b2)
    # global mean pool per graph -> state [G, state_dim]
    pooled = jax.ops.segment_sum(h, batch, num_segments=G)
    counts = jax.ops.segment_sum(jnp.ones((N, 1), jnp.float32), batch, num_segments=G)
    state = pooled / jnp.maximum(counts, 1.0)
    # score_model: Linear + Sigmoid
    score = jax.nn.sigmoid(state @ Ws + bs)
    return score

if __name__ == "__main__":
    import jax
    _d = setup_inputs()
    print(jax.jit(kernel)(*tuple(_d.values())))

</pallas_src>

<mosaic_0001>
#map = affine_map<(d0, d1) -> (0)>
module attributes {stable_mosaic.version = 14 : i64} {
  func.func @_sc_body(%arg0: i32, %arg1: i32, %arg2: memref<640000xi32, #tpu.memory_space<hbm>>, %arg3: memref<1280000xf32, #tpu.memory_space<hbm>>, %arg4: memref<1280000xf32, #tpu.memory_space<hbm>>, %arg5: memref<10000xf32, #tpu.memory_space<vmem_shared>>, %arg6: memref<1280000xf32, #tpu.memory_space<vmem_shared>>, %arg7: memref<2000xi32, #tpu.memory_space<vmem>>, %arg8: memref<2000xi32, #tpu.memory_space<vmem>>, %arg9: memref<2000xi32, #tpu.memory_space<vmem>>, %arg10: memref<2000xi32, #tpu.memory_space<vmem>>, %arg11: memref<2000xi32, #tpu.memory_space<vmem>>, %arg12: memref<2000xi32, #tpu.memory_space<vmem>>, %arg13: memref<2000xf32, #tpu.memory_space<vmem>>, %arg14: memref<2000xf32, #tpu.memory_space<vmem>>, %arg15: memref<2000xi32, #tpu.memory_space<vmem>>, %arg16: memref<2000xi32, #tpu.memory_space<vmem>>, %arg17: memref<2000xf32, #tpu.memory_space<vmem>>, %arg18: memref<8000xf32, #tpu.memory_space<vmem>>, %arg19: memref<!tpu.dma_semaphore, #tpu.memory_space<semaphore_mem>>, %arg20: memref<!tpu.dma_semaphore, #tpu.memory_space<semaphore_mem>>, %arg21: memref<!tpu.dma_semaphore, #tpu.memory_space<semaphore_mem>>, %arg22: memref<!tpu.dma_semaphore, #tpu.memory_space<semaphore_mem>>, %arg23: memref<!tpu.dma_semaphore, #tpu.memory_space<semaphore_mem>>, %arg24: memref<!tpu.dma_semaphore, #tpu.memory_space<semaphore_mem>>) attributes {dimension_semantics = [#tpu.dimension_semantics<core_parallel>, #tpu.dimension_semantics<subcore_parallel>], iteration_bounds = array<i64: 2, 16>, scalar_prefetch = 0 : i64, scratch_operands = 20 : i64, tpu.core_type = #tpu.core_type<sc_vector_subcore>, window_params = [{transform_indices = #map}, {transform_indices = #map}, {transform_indices = #map}]} {
    %broadcast_in_dim3A = arith.constant 1.000000e+00 : f32
    %broadcast_in_dim3A_0 = vector.broadcast %broadcast_in_dim3A : f32 to vector<16xf32>
    %broadcast_in_dim3A_1 = arith.constant 0.000000e+00 : f32
    %broadcast_in_dim3A_2 = vector.broadcast %broadcast_in_dim3A_1 : f32 to vector<16xf32>
    %scan3A = arith.constant 0 : i32
    %scan3A_3 = arith.constant 0 : i32
    %scan3A_4 = arith.constant 500 : i32
    %scan3A_5 = arith.addi %scan3A_3, %scan3A_4 : i32
    %scan3A_6 = arith.constant 1 : i32
    %scan3A_7 = scf.for %scan3A_355 = %scan3A_3 to %scan3A_5 step %scan3A_6 iter_args(%scan3A_356 = %scan3A) -> (i32)  : i32 {
      %mul3A_357 = arith.constant 16 : i32
      %mul3A_358 = arith.muli %scan3A_355, %mul3A_357 : i32
      %swap3A = arith.index_cast %mul3A_358 : i32 to index
      %swap3A_359 = tpu.vector_load %arg18[%swap3A] {strides = array<i32>} : memref<8000xf32, #tpu.memory_space<vmem>>, vector<16xf32>,
      %swap3A_360 = vector.shape_cast %swap3A_359 : vector<16xf32> to vector<16xf32>
      %swap3A_361 = vector.shape_cast %broadcast_in_dim3A_2 : vector<16xf32> to vector<16xf32>
      tpu.vector_store %arg18[%swap3A], %swap3A_361 {strides = array<i32>} : memref<8000xf32, #tpu.memory_space<vmem>>, vector<16xf32>,
      %scan3A_362 = arith.constant 0 : i32
      scf.yield %scan3A_362 : i32
    }
    %scan3A_8 = arith.constant 500 : i32
    %scan3A_9 = arith.constant 0 : i32
    %scan3A_10 = arith.constant 0 : i32
    %scan3A_11 = arith.constant 125 : i32
    %scan3A_12 = arith.addi %scan3A_10, %scan3A_11 : i32
    %scan3A_13 = arith.constant 1 : i32
    %scan3A_14 = scf.for %scan3A_355 = %scan3A_10 to %scan3A_12 step %scan3A_13 iter_args(%scan3A_356 = %scan3A_9) -> (i32)  : i32 {
      %mul3A_357 = arith.constant 16 : i32
      %mul3A_358 = arith.muli %scan3A_355, %mul3A_357 : i32
      %swap3A = arith.index_cast %mul3A_358 : i32 to index
      %swap3A_359 = tpu.vector_load %arg17[%swap3A] {strides = array<i32>} : memref<2000xf32, #tpu.memory_space<vmem>>, vector<16xf32>,
      %swap3A_360 = vector.shape_cast %swap3A_359 : vector<16xf32> to vector<16xf32>
      %swap3A_361 = vector.shape_cast %broadcast_in_dim3A_0 : vector<16xf32> to vector<16xf32>
      tpu.vector_store %arg17[%swap3A], %swap3A_361 {strides = array<i32>} : memref<2000xf32, #tpu.memory_space<vmem>>, vector<16xf32>,
      %scan3A_362 = arith.constant 0 : i32
      scf.yield %scan3A_362 : i32
    }
    %scan3A_15 = arith.constant 125 : i32
    %mul3A = arith.constant 80000 : i32
    %mul3A_16 = arith.muli %arg1, %mul3A : i32
    %add3A = arith.constant 0 : i32
    %add3A_17 = arith.addi %mul3A_16, %add3A : i32
    %dma_start3A = tpu.memref_slice %arg6[%add3A_17] : memref<1280000xf32, #tpu.memory_space<vmem_shared>> -> memref<8000xf32, #tpu.memory_space<vmem_shared>>
    %dma_start3A_18 = tpu.memref_slice %arg6[%add3A_17] : memref<1280000xf32, #tpu.memory_space<vmem_shared>> -> memref<8000xf32, #tpu.memory_space<vmem_shared>>
    tpu.enqueue_dma source(%arg18 : memref<8000xf32, #tpu.memory_space<vmem>>) target(%dma_start3A_18 : memref<8000xf32, #tpu.memory_space<vmem_shared>>) target_semaphore(%arg19 : memref<!tpu.dma_semaphore, #tpu.memory_space<semaphore_mem>>)
    %mul3A_19 = arith.constant 80000 : i32
    %mul3A_20 = arith.muli %arg1, %mul3A_19 : i32
    %add3A_21 = arith.constant 8000 : i32
    %add3A_22 = arith.addi %mul3A_20, %add3A_21 : i32
    %dma_start3A_23 = tpu.memref_slice %arg6[%add3A_22] : memref<1280000xf32, #tpu.memory_space<vmem_shared>> -> memref<8000xf32, #tpu.memory_space<vmem_shared>>
    %dma_start3A_24 = tpu.memref_slice %arg6[%add3A_22] : memref<1280000xf32, #tpu.memory_space<vmem_shared>> -> memref<8000xf32, #tpu.memory_space<vmem_shared>>
    tpu.enqueue_dma source(%arg18 : memref<8000xf32, #tpu.memory_space<vmem>>) target(%dma_start3A_24 : memref<8000xf32, #tpu.memory_space<vmem_shared>>) target_semaphore(%arg20 : memref<!tpu.dma_semaphore, #tpu.memory_space<semaphore_mem>>)
    %mul3A_25 = arith.constant 80000 : i32
    %mul3A_26 = arith.muli %arg1, %mul3A_25 : i32
    %add3A_27 = arith.constant 16000 : i32
    %add3A_28 = arith.addi %mul3A_26, %add3A_27 : i32
    %dma_start3A_29 = tpu.memref_slice %arg6[%add3A_28] : memref<1280000xf32, #tpu.memory_space<vmem_shared>> -> memref<8000xf32, #tpu.memory_space<vmem_shared>>
    %dma_start3A_30 = tpu.memref_slice %arg6[%add3A_28] : memref<1280000xf32, #tpu.memory_space<vmem_shared>> -> memref<8000xf32, #tpu.memory_space<vmem_shared>>
    tpu.enqueue_dma source(%arg18 : memref<8000xf32, #tpu.memory_space<vmem>>) target(%dma_start3A_30 : memref<8000xf32, #tpu.memory_space<vmem_shared>>) target_semaphore(%arg19 : memref<!tpu.dma_semaphore, #tpu.memory_space<semaphore_mem>>)
    %mul3A_31 = arith.constant 80000 : i32
    %mul3A_32 = arith.muli %arg1, %mul3A_31 : i32
    %add3A_33 = arith.constant 24000 : i32
    %add3A_34 = arith.addi %mul3A_32, %add3A_33 : i32
    %dma_start3A_35 = tpu.memref_slice %arg6[%add3A_34] : memref<1280000xf32, #tpu.memory_space<vmem_shared>> -> memref<8000xf32, #tpu.memory_space<vmem_shared>>
    %dma_start3A_36 = tpu.memref_slice %arg6[%add3A_34] : memref<1280000xf32, #tpu.memory_space<vmem_shared>> -> memref<8000xf32, #tpu.memory_space<vmem_shared>>
    tpu.enqueue_dma source(%arg18 : memref<8000xf32, #tpu.memory_space<vmem>>) target(%dma_start3A_36 : memref<8000xf32, #tpu.memory_space<vmem_shared>>) target_semaphore(%arg20 : memref<!tpu.dma_semaphore, #tpu.memory_space<semaphore_mem>>)
    %mul3A_37 = arith.constant 80000 : i32
    %mul3A_38 = arith.muli %arg1, %mul3A_37 : i32
    %add3A_39 = arith.constant 32000 : i32
    %add3A_40 = arith.addi %mul3A_38, %add3A_39 : i32
    %dma_start3A_41 = tpu.memref_slice %arg6[%add3A_40] : memref<1280000xf32, #tpu.memory_space<vmem_shared>> -> memref<8000xf32, #tpu.memory_space<vmem_shared>>
    %dma_start3A_42 = tpu.memref_slice %arg6[%add3A_40] : memref<1280000xf32, #tpu.memory_space<vmem_shared>> -> memref<8000xf32, #tpu.memory_space<vmem_shared>>
    tpu.enqueue_dma source(%arg18 : memref<8000xf32, #tpu.memory_space<vmem>>) target(%dma_start3A_42 : memref<8000xf32, #tpu.memory_space<vmem_shared>>) target_semaphore(%arg19 : memref<!tpu.dma_semaphore, #tpu.memory_space<semaphore_mem>>)
    %mul3A_43 = arith.constant 80000 : i32
    %mul3A_44 = arith.muli %arg1, %mul3A_43 : i32
    %add3A_45 = arith.constant 40000 : i32
    %add3A_46 = arith.addi %mul3A_44, %add3A_45 : i32
    %dma_start3A_47 = tpu.memref_slice %arg6[%add3A_46] : memref<1280000xf32, #tpu.memory_space<vmem_shared>> -> memref<8000xf32, #tpu.memory_space<vmem_shared>>
    %dma_start3A_48 = tpu.memref_slice %arg6[%add3A_46] : memref<1280000xf32, #tpu.memory_space<vmem_shared>> -> memref<8000xf32, #tpu.memory_space<vmem_shared>>
    tpu.enqueue_dma source(%arg18 : memref<8000xf32, #tpu.memory_space<vmem>>) target(%dma_start3A_48 : memref<8000xf32, #tpu.memory_space<vmem_shared>>) target_semaphore(%arg20 : memref<!tpu.dma_semaphore, #tpu.memory_space<semaphore_mem>>)
    %mul3A_49 = arith.constant 80000 : i32
    %mul3A_50 = arith.muli %arg1, %mul3A_49 : i32
    %add3A_51 = arith.constant 48000 : i32
    %add3A_52 = arith.addi %mul3A_50, %add3A_51 : i32
    %dma_start3A_53 = tpu.memref_slice %arg6[%add3A_52] : memref<1280000xf32, #tpu.memory_space<vmem_shared>> -> memref<8000xf32, #tpu.memory_space<vmem_shared>>
    %dma_start3A_54 = tpu.memref_slice %arg6[%add3A_52] : memref<1280000xf32, #tpu.memory_space<vmem_shared>> -> memref<8000xf32, #tpu.memory_space<vmem_shared>>
    tpu.enqueue_dma source(%arg18 : memref<8000xf32, #tpu.memory_space<vmem>>) target(%dma_start3A_54 : memref<8000xf32, #tpu.memory_space<vmem_shared>>) target_semaphore(%arg19 : memref<!tpu.dma_semaphore, #tpu.memory_space<semaphore_mem>>)
    %mul3A_55 = arith.constant 80000 : i32
    %mul3A_56 = arith.muli %arg1, %mul3A_55 : i32
    %add3A_57 = arith.constant 56000 : i32
    %add3A_58 = arith.addi %mul3A_56, %add3A_57 : i32
    %dma_start3A_59 = tpu.memref_slice %arg6[%add3A_58] : memref<1280000xf32, #tpu.memory_space<vmem_shared>> -> memref<8000xf32, #tpu.memory_space<vmem_shared>>
    %dma_start3A_60 = tpu.memref_slice %arg6[%add3A_58] : memref<1280000xf32, #tpu.memory_space<vmem_shared>> -> memref<8000xf32, #tpu.memory_space<vmem_shared>>
    tpu.enqueue_dma source(%arg18 : memref<8000xf32, #tpu.memory_space<vmem>>) target(%dma_start3A_60 : memref<8000xf32, #tpu.memory_space<vmem_shared>>) target_semaphore(%arg20 : memref<!tpu.dma_semaphore, #tpu.memory_space<semaphore_mem>>)
    %mul3A_61 = arith.constant 80000 : i32
    %mul3A_62 = arith.muli %arg1, %mul3A_61 : i32
    %add3A_63 = arith.constant 64000 : i32
    %add3A_64 = arith.addi %mul3A_62, %add3A_63 : i32
    %dma_start3A_65 = tpu.memref_slice %arg6[%add3A_64] : memref<1280000xf32, #tpu.memory_space<vmem_shared>> -> memref<8000xf32, #tpu.memory_space<vmem_shared>>
    %dma_start3A_66 = tpu.memref_slice %arg6[%add3A_64] : memref<1280000xf32, #tpu.memory_space<vmem_shared>> -> memref<8000xf32, #tpu.memory_space<vmem_shared>>
    tpu.enqueue_dma source(%arg18 : memref<8000xf32, #tpu.memory_space<vmem>>) target(%dma_start3A_66 : memref<8000xf32, #tpu.memory_space<vmem_shared>>) target_semaphore(%arg19 : memref<!tpu.dma_semaphore, #tpu.memory_space<semaphore_mem>>)
    %mul3A_67 = arith.constant 80000 : i32
    %mul3A_68 = arith.muli %arg1, %mul3A_67 : i32
    %add3A_69 = arith.constant 72000 : i32
    %add3A_70 = arith.addi %mul3A_68, %add3A_69 : i32
    %dma_start3A_71 = tpu.memref_slice %arg6[%add3A_70] : memref<1280000xf32, #tpu.memory_space<vmem_shared>> -> memref<8000xf32, #tpu.memory_space<vmem_shared>>
    %dma_start3A_72 = tpu.memref_slice %arg6[%add3A_70] : memref<1280000xf32, #tpu.memory_space<vmem_shared>> -> memref<8000xf32, #tpu.memory_space<vmem_shared>>
    tpu.enqueue_dma source(%arg18 : memref<8000xf32, #tpu.memory_space<vmem>>) target(%dma_start3A_72 : memref<8000xf32, #tpu.memory_space<vmem_shared>>) target_semaphore(%arg20 : memref<!tpu.dma_semaphore, #tpu.memory_space<semaphore_mem>>)
    %eq3A = arith.constant 0 : i32
    %eq3A_73 = arith.cmpi eq, %arg1, %eq3A : i32
    %convert_element_type3A = arith.extui %eq3A_73 : i1 to i32
    %cond3A = arith.constant 0 : i32
    %cond3A_74 = arith.cmpi ne, %convert_element_type3A, %cond3A : i32
    scf.if %cond3A_74 {
      "tpu.region"() ({
        %run_scoped3A = tpu.sem_alloc : memref<!tpu.dma_semaphore, #tpu.memory_space<semaphore_mem>>
        %dma_start3A_355 = arith.constant 0 : i32
        %dma_start3A_356 = tpu.memref_slice %arg5[%dma_start3A_355] : memref<10000xf32, #tpu.memory_space<vmem_shared>> -> memref<8000xf32, #tpu.memory_space<vmem_shared>>
        %dma_start3A_357 = arith.constant 0 : i32
        %dma_start3A_358 = tpu.memref_slice %arg5[%dma_start3A_357] : memref<10000xf32, #tpu.memory_space<vmem_shared>> -> memref<8000xf32, #tpu.memory_space<vmem_shared>>
        tpu.enqueue_dma source(%arg18 : memref<8000xf32, #tpu.memory_space<vmem>>) target(%dma_start3A_358 : memref<8000xf32, #tpu.memory_space<vmem_shared>>) target_semaphore(%run_scoped3A : memref<!tpu.dma_semaphore, #tpu.memory_space<semaphore_mem>>)
        %dma_wait3A_359 = arith.constant 0 : i32
        %dma_wait3A_360 = tpu.memref_slice %arg5[%dma_wait3A_359] : memref<10000xf32, #tpu.memory_space<vmem_shared>> -> memref<8000xf32, #tpu.memory_space<vmem_shared>>
        %dma_wait3A_361 = arith.constant 0 : i32
        %dma_wait3A_362 = tpu.memref_slice %arg5[%dma_wait3A_361] : memref<10000xf32, #tpu.memory_space<vmem_shared>> -> memref<8000xf32, #tpu.memory_space<vmem_shared>>
        tpu.wait_dma2 semaphore(%run_scoped3A : memref<!tpu.dma_semaphore, #tpu.memory_space<semaphore_mem>>) src(%arg18 : memref<8000xf32, #tpu.memory_space<vmem>>) dst(%dma_wait3A_362 : memref<8000xf32, #tpu.memory_space<vmem_shared>>)
        tpu.yield
      }) : () -> ()
      "tpu.region"() ({
        %run_scoped3A = tpu.sem_alloc : memref<!tpu.dma_semaphore, #tpu.memory_space<semaphore_mem>>
        %dma_start3A_355 = arith.constant 0 : i32
        %dma_start3A_356 = tpu.memref_slice %arg18[%dma_start3A_355] : memref<8000xf32, #tpu.memory_space<vmem>> -> memref<2000xf32, #tpu.memory_space<vmem>>
        %dma_start3A_357 = arith.constant 8000 : i32
        %dma_start3A_358 = tpu.memref_slice %arg5[%dma_start3A_357] : memref<10000xf32, #tpu.memory_space<vmem_shared>> -> memref<2000xf32, #tpu.memory_space<vmem_shared>>
        %dma_start3A_359 = arith.constant 8000 : i32
        %dma_start3A_360 = tpu.memref_slice %arg5[%dma_start3A_359] : memref<10000xf32, #tpu.memory_space<vmem_shared>> -> memref<2000xf32, #tpu.memory_space<vmem_shared>>
        %dma_start3A_361 = arith.constant 0 : i32
        %dma_start3A_362 = tpu.memref_slice %arg18[%dma_start3A_361] : memref<8000xf32, #tpu.memory_space<vmem>> -> memref<2000xf32, #tpu.memory_space<vmem>>
        tpu.enqueue_dma source(%dma_start3A_362 : memref<2000xf32, #tpu.memory_space<vmem>>) target(%dma_start3A_360 : memref<2000xf32, #tpu.memory_space<vmem_shared>>) target_semaphore(%run_scoped3A : memref<!tpu.dma_semaphore, #tpu.memory_space<semaphore_mem>>)
        %dma_wait3A_363 = arith.constant 0 : i32
        %dma_wait3A_364 = tpu.memref_slice %arg18[%dma_wait3A_363] : memref<8000xf32, #tpu.memory_space<vmem>> -> memref<2000xf32, #tpu.memory_space<vmem>>
        %dma_wait3A_365 = arith.constant 8000 : i32
        %dma_wait3A_366 = tpu.memref_slice %arg5[%dma_wait3A_365] : memref<10000xf32, #tpu.memory_space<vmem_shared>> -> memref<2000xf32, #tpu.memory_space<vmem_shared>>
        %dma_wait3A_367 = arith.constant 8000 : i32
        %dma_wait3A_368 = tpu.memref_slice %arg5[%dma_wait3A_367] : memref<10000xf32, #tpu.memory_space<vmem_shared>> -> memref<2000xf32, #tpu.memory_space<vmem_shared>>
        %dma_wait3A_369 = arith.constant 0 : i32
        %dma_wait3A_370 = tpu.memref_slice %arg18[%dma_wait3A_369] : memref<8000xf32, #tpu.memory_space<vmem>> -> memref<2000xf32, #tpu.memory_space<vmem>>
        tpu.wait_dma2 semaphore(%run_scoped3A : memref<!tpu.dma_semaphore, #tpu.memory_space<semaphore_mem>>) src(%dma_wait3A_370 : memref<2000xf32, #tpu.memory_space<vmem>>) dst(%dma_wait3A_368 : memref<2000xf32, #tpu.memory_space<vmem_shared>>)
        tpu.yield
      }) : () -> ()
    } else {
    }
    %dma_wait3A = tpu.memref_slice %arg6[%add3A_17] : memref<1280000xf32, #tpu.memory_space<vmem_shared>> -> memref<8000xf32, #tpu.memory_space<vmem_shared>>
    %dma_wait3A_75 = tpu.memref_slice %arg6[%add3A_17] : memref<1280000xf32, #tpu.memory_space<vmem_shared>> -> memref<8000xf32, #tpu.memory_space<vmem_shared>>
    tpu.wait_dma2 semaphore(%arg19 : memref<!tpu.dma_semaphore, #tpu.memory_space<semaphore_mem>>) src(%arg18 : memref<8000xf32, #tpu.memory_space<vmem>>) dst(%dma_wait3A_75 : memref<8000xf32, #tpu.memory_space<vmem_shared>>)
    %dma_wait3A_76 = tpu.memref_slice %arg6[%add3A_22] : memref<1280000xf32, #tpu.memory_space<vmem_shared>> -> memref<8000xf32, #tpu.memory_space<vmem_shared>>
    %dma_wait3A_77 = tpu.memref_slice %arg6[%add3A_22] : memref<1280000xf32, #tpu.memory_space<vmem_shared>> -> memref<8000xf32, #tpu.memory_space<vmem_shared>>
    tpu.wait_dma2 semaphore(%arg20 : memref<!tpu.dma_semaphore, #tpu.memory_space<semaphore_mem>>) src(%arg18 : memref<8000xf32, #tpu.memory_space<vmem>>) dst(%dma_wait3A_77 : memref<8000xf32, #tpu.memory_space<vmem_shared>>)
    %dma_wait3A_78 = tpu.memref_slice %arg6[%add3A_28] : memref<1280000xf32, #tpu.memory_space<vmem_shared>> -> memref<8000xf32, #tpu.memory_space<vmem_shared>>
    %dma_wait3A_79 = tpu.memref_slice %arg6[%add3A_28] : memref<1280000xf32, #tpu.memory_space<vmem_shared>> -> memref<8000xf32, #tpu.memory_space<vmem_shared>>
    tpu.wait_dma2 semaphore(%arg19 : memref<!tpu.dma_semaphore, #tpu.memory_space<semaphore_mem>>) src(%arg18 : memref<8000xf32, #tpu.memory_space<vmem>>) dst(%dma_wait3A_79 : memref<8000xf32, #tpu.memory_space<vmem_shared>>)
    %dma_wait3A_80 = tpu.memref_slice %arg6[%add3A_34] : memref<1280000xf32, #tpu.memory_space<vmem_shared>> -> memref<8000xf32, #tpu.memory_space<vmem_shared>>
    %dma_wait3A_81 = tpu.memref_slice %arg6[%add3A_34] : memref<1280000xf32, #tpu.memory_space<vmem_shared>> -> memref<8000xf32, #tpu.memory_space<vmem_shared>>
    tpu.wait_dma2 semaphore(%arg20 : memref<!tpu.dma_semaphore, #tpu.memory_space<semaphore_mem>>) src(%arg18 : memref<8000xf32, #tpu.memory_space<vmem>>) dst(%dma_wait3A_81 : memref<8000xf32, #tpu.memory_space<vmem_shared>>)
    %dma_wait3A_82 = tpu.memref_slice %arg6[%add3A_40] : memref<1280000xf32, #tpu.memory_space<vmem_shared>> -> memref<8000xf32, #tpu.memory_space<vmem_shared>>
    %dma_wait3A_83 = tpu.memref_slice %arg6[%add3A_40] : memref<1280000xf32, #tpu.memory_space<vmem_shared>> -> memref<8000xf32, #tpu.memory_space<vmem_shared>>
    tpu.wait_dma2 semaphore(%arg19 : memref<!tpu.dma_semaphore, #tpu.memory_space<semaphore_mem>>) src(%arg18 : memref<8000xf32, #tpu.memory_space<vmem>>) dst(%dma_wait3A_83 : memref<8000xf32, #tpu.memory_space<vmem_shared>>)
    %dma_wait3A_84 = tpu.memref_slice %arg6[%add3A_46] : memref<1280000xf32, #tpu.memory_space<vmem_shared>> -> memref<8000xf32, #tpu.memory_space<vmem_shared>>
    %dma_wait3A_85 = tpu.memref_slice %arg6[%add3A_46] : memref<1280000xf32, #tpu.memory_space<vmem_shared>> -> memref<8000xf32, #tpu.memory_space<vmem_shared>>
    tpu.wait_dma2 semaphore(%arg20 : memref<!tpu.dma_semaphore, #tpu.memory_space<semaphore_mem>>) src(%arg18 : memref<8000xf32, #tpu.memory_space<vmem>>) dst(%dma_wait3A_85 : memref<8000xf32, #tpu.memory_space<vmem_shared>>)
    %dma_wait3A_86 = tpu.memref_slice %arg6[%add3A_52] : memref<1280000xf32, #tpu.memory_space<vmem_shared>> -> memref<8000xf32, #tpu.memory_space<vmem_shared>>
    %dma_wait3A_87 = tpu.memref_slice %arg6[%add3A_52] : memref<1280000xf32, #tpu.memory_space<vmem_shared>> -> memref<8000xf32, #tpu.memory_space<vmem_shared>>
    tpu.wait_dma2 semaphore(%arg19 : memref<!tpu.dma_semaphore, #tpu.memory_space<semaphore_mem>>) src(%arg18 : memref<8000xf32, #tpu.memory_space<vmem>>) dst(%dma_wait3A_87 : memref<8000xf32, #tpu.memory_space<vmem_shared>>)
    %dma_wait3A_88 = tpu.memref_slice %arg6[%add3A_58] : memref<1280000xf32, #tpu.memory_space<vmem_shared>> -> memref<8000xf32, #tpu.memory_space<vmem_shared>>
    %dma_wait3A_89 = tpu.memref_slice %arg6[%add3A_58] : memref<1280000xf32, #tpu.memory_space<vmem_shared>> -> memref<8000xf32, #tpu.memory_space<vmem_shared>>
    tpu.wait_dma2 semaphore(%arg20 : memref<!tpu.dma_semaphore, #tpu.memory_space<semaphore_mem>>) src(%arg18 : memref<8000xf32, #tpu.memory_space<vmem>>) dst(%dma_wait3A_89 : memref<8000xf32, #tpu.memory_space<vmem_shared>>)
    %dma_wait3A_90 = tpu.memref_slice %arg6[%add3A_64] : memref<1280000xf32, #tpu.memory_space<vmem_shared>> -> memref<8000xf32, #tpu.memory_space<vmem_shared>>
    %dma_wait3A_91 = tpu.memref_slice %arg6[%add3A_64] : memref<1280000xf32, #tpu.memory_space<vmem_shared>> -> memref<8000xf32, #tpu.memory_space<vmem_shared>>
    tpu.wait_dma2 semaphore(%arg19 : memref<!tpu.dma_semaphore, #tpu.memory_space<semaphore_mem>>) src(%arg18 : memref<8000xf32, #tpu.memory_space<vmem>>) dst(%dma_wait3A_91 : memref<8000xf32, #tpu.memory_space<vmem_shared>>)
    %dma_wait3A_92 = tpu.memref_slice %arg6[%add3A_70] : memref<1280000xf32, #tpu.memory_space<vmem_shared>> -> memref<8000xf32, #tpu.memory_space<vmem_shared>>
    %dma_wait3A_93 = tpu.memref_slice %arg6[%add3A_70] : memref<1280000xf32, #tpu.memory_space<vmem_shared>> -> memref<8000xf32, #tpu.memory_space<vmem_shared>>
    tpu.wait_dma2 semaphore(%arg20 : memref<!tpu.dma_semaphore, #tpu.memory_space<semaphore_mem>>) src(%arg18 : memref<8000xf32, #tpu.memory_space<vmem>>) dst(%dma_wait3A_93 : memref<8000xf32, #tpu.memory_space<vmem_shared>>)
    %barrier3A = arith.constant 0 : index
    tpu.barrier barrier_id(%barrier3A)
    %mul3A_94 = arith.constant 20000 : i32
    %mul3A_95 = arith.muli %arg1, %mul3A_94 : i32
    %add3A_96 = arith.constant 320000 : i32
    %add3A_97 = arith.addi %add3A_96, %mul3A_95 : i32
    %add3A_98 = arith.constant 0 : i32
    %add3A_99 = arith.addi %add3A_97, %add3A_98 : i32
    "tpu.region"() ({
      %run_scoped3A = tpu.sem_alloc : memref<!tpu.dma_semaphore, #tpu.memory_space<semaphore_mem>>
      %dma_start3A_355 = tpu.memref_slice %arg2[%add3A_99] : memref<640000xi32, #tpu.memory_space<hbm>> -> memref<2000xi32, #tpu.memory_space<hbm>>
      %dma_start3A_356 = tpu.memref_slice %arg2[%add3A_99] : memref<640000xi32, #tpu.memory_space<hbm>> -> memref<2000xi32, #tpu.memory_space<hbm>>
      tpu.enqueue_dma source(%dma_start3A_356 : memref<2000xi32, #tpu.memory_space<hbm>>) target(%arg9 : memref<2000xi32, #tpu.memory_space<vmem>>) target_semaphore(%run_scoped3A : memref<!tpu.dma_semaphore, #tpu.memory_space<semaphore_mem>>)
      %dma_wait3A_357 = tpu.memref_slice %arg2[%add3A_99] : memref<640000xi32, #tpu.memory_space<hbm>> -> memref<2000xi32, #tpu.memory_space<hbm>>
      %dma_wait3A_358 = tpu.memref_slice %arg2[%add3A_99] : memref<640000xi32, #tpu.memory_space<hbm>> -> memref<2000xi32, #tpu.memory_space<hbm>>
      tpu.wait_dma2 semaphore(%run_scoped3A : memref<!tpu.dma_semaphore, #tpu.memory_space<semaphore_mem>>) src(%dma_wait3A_358 : memref<2000xi32, #tpu.memory_space<hbm>>) dst(%arg9 : memref<2000xi32, #tpu.memory_space<vmem>>)
      tpu.yield
    }) : () -> ()
    %dma_start3A_100 = arith.constant 0 : i32
    %dma_start3A_101 = tpu.memref_slice %arg5[%dma_start3A_100] : memref<10000xf32, #tpu.memory_space<vmem_shared>> -> memref<10000xf32, #tpu.memory_space<vmem_shared>>
    tpu.enqueue_indirect_dma source(%arg17 : memref<2000xf32, #tpu.memory_space<vmem>>) target(%dma_start3A_101 : memref<10000xf32, #tpu.memory_space<vmem_shared>>) offsets(%arg9 : memref<2000xi32, #tpu.memory_space<vmem>>) semaphore(%arg21 : memref<!tpu.dma_semaphore, #tpu.memory_space<semaphore_mem>>) {add = true}
    %mul3A_102 = arith.constant 20000 : i32
    %mul3A_103 = arith.muli %arg1, %mul3A_102 : i32
    %add3A_104 = arith.constant 320000 : i32
    %add3A_105 = arith.addi %add3A_104, %mul3A_103 : i32
    %add3A_106 = arith.constant 2000 : i32
    %add3A_107 = arith.addi %add3A_105, %add3A_106 : i32
    "tpu.region"() ({
      %run_scoped3A = tpu.sem_alloc : memref<!tpu.dma_semaphore, #tpu.memory_space<semaphore_mem>>
      %dma_start3A_355 = tpu.memref_slice %arg2[%add3A_107] : memref<640000xi32, #tpu.memory_space<hbm>> -> memref<2000xi32, #tpu.memory_space<hbm>>
      %dma_start3A_356 = tpu.memref_slice %arg2[%add3A_107] : memref<640000xi32, #tpu.memory_space<hbm>> -> memref<2000xi32, #tpu.memory_space<hbm>>
      tpu.enqueue_dma source(%dma_start3A_356 : memref<2000xi32, #tpu.memory_space<hbm>>) target(%arg10 : memref<2000xi32, #tpu.memory_space<vmem>>) target_semaphore(%run_scoped3A : memref<!tpu.dma_semaphore, #tpu.memory_space<semaphore_mem>>)
      %dma_wait3A_357 = tpu.memref_slice %arg2[%add3A_107] : memref<640000xi32, #tpu.memory_space<hbm>> -> memref<2000xi32, #tpu.memory_space<hbm>>
      %dma_wait3A_358 = tpu.memref_slice %arg2[%add3A_107] : memref<640000xi32, #tpu.memory_space<hbm>> -> memref<2000xi32, #tpu.memory_space<hbm>>
      tpu.wait_dma2 semaphore(%run_scoped3A : memref<!tpu.dma_semaphore, #tpu.memory_space<semaphore_mem>>) src(%dma_wait3A_358 : memref<2000xi32, #tpu.memory_space<hbm>>) dst(%arg10 : memref<2000xi32, #tpu.memory_space<vmem>>)
      tpu.yield
    }) : () -> ()
    %dma_start3A_108 = arith.constant 0 : i32
    %dma_start3A_109 = tpu.memref_slice %arg5[%dma_start3A_108] : memref<10000xf32, #tpu.memory_space<vmem_shared>> -> memref<10000xf32, #tpu.memory_space<vmem_shared>>
    tpu.enqueue_indirect_dma source(%arg17 : memref<2000xf32, #tpu.memory_space<vmem>>) target(%dma_start3A_109 : memref<10000xf32, #tpu.memory_space<vmem_shared>>) offsets(%arg10 : memref<2000xi32, #tpu.memory_space<vmem>>) semaphore(%arg22 : memref<!tpu.dma_semaphore, #tpu.memory_space<semaphore_mem>>) {add = true}
    %mul3A_110 = arith.constant 20000 : i32
    %mul3A_111 = arith.muli %arg1, %mul3A_110 : i32
    %add3A_112 = arith.constant 320000 : i32
    %add3A_113 = arith.addi %add3A_112, %mul3A_111 : i32
    %add3A_114 = arith.constant 4000 : i32
    %add3A_115 = arith.addi %add3A_113, %add3A_114 : i32
    "tpu.region"() ({
      %run_scoped3A = tpu.sem_alloc : memref<!tpu.dma_semaphore, #tpu.memory_space<semaphore_mem>>
      %dma_start3A_355 = tpu.memref_slice %arg2[%add3A_115] : memref<640000xi32, #tpu.memory_space<hbm>> -> memref<2000xi32, #tpu.memory_space<hbm>>
      %dma_start3A_356 = tpu.memref_slice %arg2[%add3A_115] : memref<640000xi32, #tpu.memory_space<hbm>> -> memref<2000xi32, #tpu.memory_space<hbm>>
      tpu.enqueue_dma source(%dma_start3A_356 : memref<2000xi32, #tpu.memory_space<hbm>>) target(%arg7 : memref<2000xi32, #tpu.memory_space<vmem>>) target_semaphore(%run_scoped3A : memref<!tpu.dma_semaphore, #tpu.memory_space<semaphore_mem>>)
      %dma_wait3A_357 = tpu.memref_slice %arg2[%add3A_115] : memref<640000xi32, #tpu.memory_space<hbm>> -> memref<2000xi32, #tpu.memory_space<hbm>>
      %dma_wait3A_358 = tpu.memref_slice %arg2[%add3A_115] : memref<640000xi32, #tpu.memory_space<hbm>> -> memref<2000xi32, #tpu.memory_space<hbm>>
      tpu.wait_dma2 semaphore(%run_scoped3A : memref<!tpu.dma_semaphore, #tpu.memory_space<semaphore_mem>>) src(%dma_wait3A_358 : memref<2000xi32, #tpu.memory_space<hbm>>) dst(%arg7 : memref<2000xi32, #tpu.memory_space<vmem>>)
      tpu.yield
    }) : () -> ()
    %dma_start3A_116 = arith.constant 0 : i32
    %dma_start3A_117 = tpu.memref_slice %arg5[%dma_start3A_116] : memref<10000xf32, #tpu.memory_space<vmem_shared>> -> memref<10000xf32, #tpu.memory_space<vmem_shared>>
    tpu.enqueue_indirect_dma source(%arg17 : memref<2000xf32, #tpu.memory_space<vmem>>) target(%dma_start3A_117 : memref<10000xf32, #tpu.memory_space<vmem_shared>>) offsets(%arg7 : memref<2000xi32, #tpu.memory_space<vmem>>) semaphore(%arg23 : memref<!tpu.dma_semaphore, #tpu.memory_space<semaphore_mem>>) {add = true}
    %mul3A_118 = arith.constant 20000 : i32
    %mul3A_119 = arith.muli %arg1, %mul3A_118 : i32
    %add3A_120 = arith.constant 320000 : i32
    %add3A_121 = arith.addi %add3A_120, %mul3A_119 : i32
    %add3A_122 = arith.constant 6000 : i32
    %add3A_123 = arith.addi %add3A_121, %add3A_122 : i32
    "tpu.region"() ({
      %run_scoped3A = tpu.sem_alloc : memref<!tpu.dma_semaphore, #tpu.memory_space<semaphore_mem>>
      %dma_start3A_355 = tpu.memref_slice %arg2[%add3A_123] : memref<640000xi32, #tpu.memory_space<hbm>> -> memref<2000xi32, #tpu.memory_space<hbm>>
      %dma_start3A_356 = tpu.memref_slice %arg2[%add3A_123] : memref<640000xi32, #tpu.memory_space<hbm>> -> memref<2000xi32, #tpu.memory_space<hbm>>
      tpu.enqueue_dma source(%dma_start3A_356 : memref<2000xi32, #tpu.memory_space<hbm>>) target(%arg8 : memref<2000xi32, #tpu.memory_space<vmem>>) target_semaphore(%run_scoped3A : memref<!tpu.dma_semaphore, #tpu.memory_space<semaphore_mem>>)
      %dma_wait3A_357 = tpu.memref_slice %arg2[%add3A_123] : memref<640000xi32, #tpu.memory_space<hbm>> -> memref<2000xi32, #tpu.memory_space<hbm>>
      %dma_wait3A_358 = tpu.memref_slice %arg2[%add3A_123] : memref<640000xi32, #tpu.memory_space<hbm>> -> memref<2000xi32, #tpu.memory_space<hbm>>
      tpu.wait_dma2 semaphore(%run_scoped3A : memref<!tpu.dma_semaphore, #tpu.memory_space<semaphore_mem>>) src(%dma_wait3A_358 : memref<2000xi32, #tpu.memory_space<hbm>>) dst(%arg8 : memref<2000xi32, #tpu.memory_space<vmem>>)
      tpu.yield
    }) : () -> ()
    %dma_start3A_124 = arith.constant 0 : i32
    %dma_start3A_125 = tpu.memref_slice %arg5[%dma_start3A_124] : memref<10000xf32, #tpu.memory_space<vmem_shared>> -> memref<10000xf32, #tpu.memory_space<vmem_shared>>
    tpu.enqueue_indirect_dma source(%arg17 : memref<2000xf32, #tpu.memory_space<vmem>>) target(%dma_start3A_125 : memref<10000xf32, #tpu.memory_space<vmem_shared>>) offsets(%arg8 : memref<2000xi32, #tpu.memory_space<vmem>>) semaphore(%arg24 : memref<!tpu.dma_semaphore, #tpu.memory_space<semaphore_mem>>) {add = true}
    %dma_wait3A_126 = arith.constant 0 : i32
    %dma_wait3A_127 = tpu.memref_slice %arg5[%dma_wait3A_126] : memref<10000xf32, #tpu.memory_space<vmem_shared>> -> memref<10000xf32, #tpu.memory_space<vmem_shared>>
    tpu.wait_indirect_dma semaphore(%arg21 : memref<!tpu.dma_semaphore, #tpu.memory_space<semaphore_mem>>) src(%arg17 : memref<2000xf32, #tpu.memory_space<vmem>>) dst(%dma_wait3A_127 : memref<10000xf32, #tpu.memory_space<vmem_shared>>)
    %mul3A_128 = arith.constant 20000 : i32
    %mul3A_129 = arith.muli %arg1, %mul3A_128 : i32
    %add3A_130 = arith.constant 320000 : i32
    %add3A_131 = arith.addi %add3A_130, %mul3A_129 : i32
    %add3A_132 = arith.constant 8000 : i32
    %add3A_133 = arith.addi %add3A_131, %add3A_132 : i32
    "tpu.region"() ({
      %run_scoped3A = tpu.sem_alloc : memref<!tpu.dma_semaphore, #tpu.memory_space<semaphore_mem>>
      %dma_start3A_355 = tpu.memref_slice %arg2[%add3A_133] : memref<640000xi32, #tpu.memory_space<hbm>> -> memref<2000xi32, #tpu.memory_space<hbm>>
      %dma_start3A_356 = tpu.memref_slice %arg2[%add3A_133] : memref<640000xi32, #tpu.memory_space<hbm>> -> memref<2000xi32, #tpu.memory_space<hbm>>
      tpu.enqueue_dma source(%dma_start3A_356 : memref<2000xi32, #tpu.memory_space<hbm>>) target(%arg9 : memref<2000xi32, #tpu.memory_space<vmem>>) target_semaphore(%run_scoped3A : memref<!tpu.dma_semaphore, #tpu.memory_space<semaphore_mem>>)
      %dma_wait3A_357 = tpu.memref_slice %arg2[%add3A_133] : memref<640000xi32, #tpu.memory_space<hbm>> -> memref<2000xi32, #tpu.memory_space<hbm>>
      %dma_wait3A_358 = tpu.memref_slice %arg2[%add3A_133] : memref<640000xi32, #tpu.memory_space<hbm>> -> memref<2000xi32, #tpu.memory_space<hbm>>
      tpu.wait_dma2 semaphore(%run_scoped3A : memref<!tpu.dma_semaphore, #tpu.memory_space<semaphore_mem>>) src(%dma_wait3A_358 : memref<2000xi32, #tpu.memory_space<hbm>>) dst(%arg9 : memref<2000xi32, #tpu.memory_space<vmem>>)
      tpu.yield
    }) : () -> ()
    %dma_start3A_134 = arith.constant 0 : i32
    %dma_start3A_135 = tpu.memref_slice %arg5[%dma_start3A_134] : memref<10000xf32, #tpu.memory_space<vmem_shared>> -> memref<10000xf32, #tpu.memory_space<vmem_shared>>
    tpu.enqueue_indirect_dma source(%arg17 : memref<2000xf32, #tpu.memory_space<vmem>>) target(%dma_start3A_135 : memref<10000xf32, #tpu.memory_space<vmem_shared>>) offsets(%arg9 : memref<2000xi32, #tpu.memory_space<vmem>>) semaphore(%arg21 : memref<!tpu.dma_semaphore, #tpu.memory_space<semaphore_mem>>) {add = true}
    %dma_wait3A_136 = arith.constant 0 : i32
    %dma_wait3A_137 = tpu.memref_slice %arg5[%dma_wait3A_136] : memref<10000xf32, #tpu.memory_space<vmem_shared>> -> memref<10000xf32, #tpu.memory_space<vmem_shared>>
    tpu.wait_indirect_dma semaphore(%arg22 : memref<!tpu.dma_semaphore, #tpu.memory_space<semaphore_mem>>) src(%arg17 : memref<2000xf32, #tpu.memory_space<vmem>>) dst(%dma_wait3A_137 : memref<10000xf32, #tpu.memory_space<vmem_shared>>)
    %mul3A_138 = arith.constant 20000 : i32
    %mul3A_139 = arith.muli %arg1, %mul3A_138 : i32
    %add3A_140 = arith.constant 320000 : i32
    %add3A_141 = arith.addi %add3A_140, %mul3A_139 : i32
    %add3A_142 = arith.constant 10000 : i32
    %add3A_143 = arith.addi %add3A_141, %add3A_142 : i32
    "tpu.region"() ({
      %run_scoped3A = tpu.sem_alloc : memref<!tpu.dma_semaphore, #tpu.memory_space<semaphore_mem>>
      %dma_start3A_355 = tpu.memref_slice %arg2[%add3A_143] : memref<640000xi32, #tpu.memory_space<hbm>> -> memref<2000xi32, #tpu.memory_space<hbm>>
      %dma_start3A_356 = tpu.memref_slice %arg2[%add3A_143] : memref<640000xi32, #tpu.memory_space<hbm>> -> memref<2000xi32, #tpu.memory_space<hbm>>
      tpu.enqueue_dma source(%dma_start3A_356 : memref<2000xi32, #tpu.memory_space<hbm>>) target(%arg10 : memref<2000xi32, #tpu.memory_space<vmem>>) target_semaphore(%run_scoped3A : memref<!tpu.dma_semaphore, #tpu.memory_space<semaphore_mem>>)
      %dma_wait3A_357 = tpu.memref_slice %arg2[%add3A_143] : memref<640000xi32, #tpu.memory_space<hbm>> -> memref<2000xi32, #tpu.memory_space<hbm>>
      %dma_wait3A_358 = tpu.memref_slice %arg2[%add3A_143] : memref<640000xi32, #tpu.memory_space<hbm>> -> memref<2000xi32, #tpu.memory_space<hbm>>
      tpu.wait_dma2 semaphore(%run_scoped3A : memref<!tpu.dma_semaphore, #tpu.memory_space<semaphore_mem>>) src(%dma_wait3A_358 : memref<2000xi32, #tpu.memory_space<hbm>>) dst(%arg10 : memref<2000xi32, #tpu.memory_space<vmem>>)
      tpu.yield
    }) : () -> ()
    %dma_start3A_144 = arith.constant 0 : i32
    %dma_start3A_145 = tpu.memref_slice %arg5[%dma_start3A_144] : memref<10000xf32, #tpu.memory_space<vmem_shared>> -> memref<10000xf32, #tpu.memory_space<vmem_shared>>
    tpu.enqueue_indirect_dma source(%arg17 : memref<2000xf32, #tpu.memory_space<vmem>>) target(%dma_start3A_145 : memref<10000xf32, #tpu.memory_space<vmem_shared>>) offsets(%arg10 : memref<2000xi32, #tpu.memory_space<vmem>>) semaphore(%arg22 : memref<!tpu.dma_semaphore, #tpu.memory_space<semaphore_mem>>) {add = true}
    %dma_wait3A_146 = arith.constant 0 : i32
    %dma_wait3A_147 = tpu.memref_slice %arg5[%dma_wait3A_146] : memref<10000xf32, #tpu.memory_space<vmem_shared>> -> memref<10000xf32, #tpu.memory_space<vmem_shared>>
    tpu.wait_indirect_dma semaphore(%arg23 : memref<!tpu.dma_semaphore, #tpu.memory_space<semaphore_mem>>) src(%arg17 : memref<2000xf32, #tpu.memory_space<vmem>>) dst(%dma_wait3A_147 : memref<10000xf32, #tpu.memory_space<vmem_shared>>)
    %mul3A_148 = arith.constant 20000 : i32
    %mul3A_149 = arith.muli %arg1, %mul3A_148 : i32
    %add3A_150 = arith.constant 320000 : i32
    %add3A_151 = arith.addi %add3A_150, %mul3A_149 : i32
    %add3A_152 = arith.constant 12000 : i32
    %add3A_153 = arith.addi %add3A_151, %add3A_152 : i32
    "tpu.region"() ({
      %run_scoped3A = tpu.sem_alloc : memref<!tpu.dma_semaphore, #tpu.memory_space<semaphore_mem>>
      %dma_start3A_355 = tpu.memref_slice %arg2[%add3A_153] : memref<640000xi32, #tpu.memory_space<hbm>> -> memref<2000xi32, #tpu.memory_space<hbm>>
      %dma_start3A_356 = tpu.memref_slice %arg2[%add3A_153] : memref<640000xi32, #tpu.memory_space<hbm>> -> memref<2000xi32, #tpu.memory_space<hbm>>
      tpu.enqueue_dma source(%dma_start3A_356 : memref<2000xi32, #tpu.memory_space<hbm>>) target(%arg7 : memref<2000xi32, #tpu.memory_space<vmem>>) target_semaphore(%run_scoped3A : memref<!tpu.dma_semaphore, #tpu.memory_space<semaphore_mem>>)
      %dma_wait3A_357 = tpu.memref_slice %arg2[%add3A_153] : memref<640000xi32, #tpu.memory_space<hbm>> -> memref<2000xi32, #tpu.memory_space<hbm>>
      %dma_wait3A_358 = tpu.memref_slice %arg2[%add3A_153] : memref<640000xi32, #tpu.memory_space<hbm>> -> memref<2000xi32, #tpu.memory_space<hbm>>
      tpu.wait_dma2 semaphore(%run_scoped3A : memref<!tpu.dma_semaphore, #tpu.memory_space<semaphore_mem>>) src(%dma_wait3A_358 : memref<2000xi32, #tpu.memory_space<hbm>>) dst(%arg7 : memref<2000xi32, #tpu.memory_space<vmem>>)
      tpu.yield
    }) : () -> ()
    %dma_start3A_154 = arith.constant 0 : i32
    %dma_start3A_155 = tpu.memref_slice %arg5[%dma_start3A_154] : memref<10000xf32, #tpu.memory_space<vmem_shared>> -> memref<10000xf32, #tpu.memory_space<vmem_shared>>
    tpu.enqueue_indirect_dma source(%arg17 : memref<2000xf32, #tpu.memory_space<vmem>>) target(%dma_start3A_155 : memref<10000xf32, #tpu.memory_space<vmem_shared>>) offsets(%arg7 : memref<2000xi32, #tpu.memory_space<vmem>>) semaphore(%arg23 : memref<!tpu.dma_semaphore, #tpu.memory_space<semaphore_mem>>) {add = true}
    %dma_wait3A_156 = arith.constant 0 : i32
    %dma_wait3A_157 = tpu.memref_slice %arg5[%dma_wait3A_156] : memref<10000xf32, #tpu.memory_space<vmem_shared>> -> memref<10000xf32, #tpu.memory_space<vmem_shared>>
    tpu.wait_indirect_dma semaphore(%arg24 : memref<!tpu.dma_semaphore, #tpu.memory_space<semaphore_mem>>) src(%arg17 : memref<2000xf32, #tpu.memory_space<vmem>>) dst(%dma_wait3A_157 : memref<10000xf32, #tpu.memory_space<vmem_shared>>)
    %mul3A_158 = arith.constant 20000 : i32
    %mul3A_159 = arith.muli %arg1, %mul3A_158 : i32
    %add3A_160 = arith.constant 320000 : i32
    %add3A_161 = arith.addi %add3A_160, %mul3A_159 : i32
    %add3A_162 = arith.constant 14000 : i32
    %add3A_163 = arith.addi %add3A_161, %add3A_162 : i32
    "tpu.region"() ({
      %run_scoped3A = tpu.sem_alloc : memref<!tpu.dma_semaphore, #tpu.memory_space<semaphore_mem>>
      %dma_start3A_355 = tpu.memref_slice %arg2[%add3A_163] : memref<640000xi32, #tpu.memory_space<hbm>> -> memref<2000xi32, #tpu.memory_space<hbm>>
      %dma_start3A_356 = tpu.memref_slice %arg2[%add3A_163] : memref<640000xi32, #tpu.memory_space<hbm>> -> memref<2000xi32, #tpu.memory_space<hbm>>
      tpu.enqueue_dma source(%dma_start3A_356 : memref<2000xi32, #tpu.memory_space<hbm>>) target(%arg8 : memref<2000xi32, #tpu.memory_space<vmem>>) target_semaphore(%run_scoped3A : memref<!tpu.dma_semaphore, #tpu.memory_space<semaphore_mem>>)
      %dma_wait3A_357 = tpu.memref_slice %arg2[%add3A_163] : memref<640000xi32, #tpu.memory_space<hbm>> -> memref<2000xi32, #tpu.memory_space<hbm>>
      %dma_wait3A_358 = tpu.memref_slice %arg2[%add3A_163] : memref<640000xi32, #tpu.memory_space<hbm>> -> memref<2000xi32, #tpu.memory_space<hbm>>
      tpu.wait_dma2 semaphore(%run_scoped3A : memref<!tpu.dma_semaphore, #tpu.memory_space<semaphore_mem>>) src(%dma_wait3A_358 : memref<2000xi32, #tpu.memory_space<hbm>>) dst(%arg8 : memref<2000xi32, #tpu.memory_space<vmem>>)
      tpu.yield
    }) : () -> ()
    %dma_start3A_164 = arith.constant 0 : i32
    %dma_start3A_165 = tpu.memref_slice %arg5[%dma_start3A_164] : memref<10000xf32, #tpu.memory_space<vmem_shared>> -> memref<10000xf32, #tpu.memory_space<vmem_shared>>
    tpu.enqueue_indirect_dma source(%arg17 : memref<2000xf32, #tpu.memory_space<vmem>>) target(%dma_start3A_165 : memref<10000xf32, #tpu.memory_space<vmem_shared>>) offsets(%arg8 : memref<2000xi32, #tpu.memory_space<vmem>>) semaphore(%arg24 : memref<!tpu.dma_semaphore, #tpu.memory_space<semaphore_mem>>) {add = true}
    %dma_wait3A_166 = arith.constant 0 : i32
    %dma_wait3A_167 = tpu.memref_slice %arg5[%dma_wait3A_166] : memref<10000xf32, #tpu.memory_space<vmem_shared>> -> memref<10000xf32, #tpu.memory_space<vmem_shared>>
    tpu.wait_indirect_dma semaphore(%arg21 : memref<!tpu.dma_semaphore, #tpu.memory_space<semaphore_mem>>) src(%arg17 : memref<2000xf32, #tpu.memory_space<vmem>>) dst(%dma_wait3A_167 : memref<10000xf32, #tpu.memory_space<vmem_shared>>)
    %mul3A_168 = arith.constant 20000 : i32
    %mul3A_169 = arith.muli %arg1, %mul3A_168 : i32
    %add3A_170 = arith.constant 320000 : i32
    %add3A_171 = arith.addi %add3A_170, %mul3A_169 : i32
    %add3A_172 = arith.constant 16000 : i32
    %add3A_173 = arith.addi %add3A_171, %add3A_172 : i32
    "tpu.region"() ({
      %run_scoped3A = tpu.sem_alloc : memref<!tpu.dma_semaphore, #tpu.memory_space<semaphore_mem>>
      %dma_start3A_355 = tpu.memref_slice %arg2[%add3A_173] : memref<640000xi32, #tpu.memory_space<hbm>> -> memref<2000xi32, #tpu.memory_space<hbm>>
      %dma_start3A_356 = tpu.memref_slice %arg2[%add3A_173] : memref<640000xi32, #tpu.memory_space<hbm>> -> memref<2000xi32, #tpu.memory_space<hbm>>
      tpu.enqueue_dma source(%dma_start3A_356 : memref<2000xi32, #tpu.memory_space<hbm>>) target(%arg9 : memref<2000xi32, #tpu.memory_space<vmem>>) target_semaphore(%run_scoped3A : memref<!tpu.dma_semaphore, #tpu.memory_space<semaphore_mem>>)
      %dma_wait3A_357 = tpu.memref_slice %arg2[%add3A_173] : memref<640000xi32, #tpu.memory_space<hbm>> -> memref<2000xi32, #tpu.memory_space<hbm>>
      %dma_wait3A_358 = tpu.memref_slice %arg2[%add3A_173] : memref<640000xi32, #tpu.memory_space<hbm>> -> memref<2000xi32, #tpu.memory_space<hbm>>
      tpu.wait_dma2 semaphore(%run_scoped3A : memref<!tpu.dma_semaphore, #tpu.memory_space<semaphore_mem>>) src(%dma_wait3A_358 : memref<2000xi32, #tpu.memory_space<hbm>>) dst(%arg9 : memref<2000xi32, #tpu.memory_space<vmem>>)
      tpu.yield
    }) : () -> ()
    %dma_start3A_174 = arith.constant 0 : i32
    %dma_start3A_175 = tpu.memref_slice %arg5[%dma_start3A_174] : memref<10000xf32, #tpu.memory_space<vmem_shared>> -> memref<10000xf32, #tpu.memory_space<vmem_shared>>
    tpu.enqueue_indirect_dma source(%arg17 : memref<2000xf32, #tpu.memory_space<vmem>>) target(%dma_start3A_175 : memref<10000xf32, #tpu.memory_space<vmem_shared>>) offsets(%arg9 : memref<2000xi32, #tpu.memory_space<vmem>>) semaphore(%arg21 : memref<!tpu.dma_semaphore, #tpu.memory_space<semaphore_mem>>) {add = true}
    %dma_wait3A_176 = arith.constant 0 : i32
    %dma_wait3A_177 = tpu.memref_slice %arg5[%dma_wait3A_176] : memref<10000xf32, #tpu.memory_space<vmem_shared>> -> memref<10000xf32, #tpu.memory_space<vmem_shared>>
    tpu.wait_indirect_dma semaphore(%arg22 : memref<!tpu.dma_semaphore, #tpu.memory_space<semaphore_mem>>) src(%arg17 : memref<2000xf32, #tpu.memory_space<vmem>>) dst(%dma_wait3A_177 : memref<10000xf32, #tpu.memory_space<vmem_shared>>)
    %mul3A_178 = arith.constant 20000 : i32
    %mul3A_179 = arith.muli %arg1, %mul3A_178 : i32
    %add3A_180 = arith.constant 320000 : i32
    %add3A_181 = arith.addi %add3A_180, %mul3A_179 : i32
    %add3A_182 = arith.constant 18000 : i32
    %add3A_183 = arith.addi %add3A_181, %add3A_182 : i32
    "tpu.region"() ({
      %run_scoped3A = tpu.sem_alloc : memref<!tpu.dma_semaphore, #tpu.memory_space<semaphore_mem>>
      %dma_start3A_355 = tpu.memref_slice %arg2[%add3A_183] : memref<640000xi32, #tpu.memory_space<hbm>> -> memref<2000xi32, #tpu.memory_space<hbm>>
      %dma_start3A_356 = tpu.memref_slice %arg2[%add3A_183] : memref<640000xi32, #tpu.memory_space<hbm>> -> memref<2000xi32, #tpu.memory_space<hbm>>
      tpu.enqueue_dma source(%dma_start3A_356 : memref<2000xi32, #tpu.memory_space<hbm>>) target(%arg10 : memref<2000xi32, #tpu.memory_space<vmem>>) target_semaphore(%run_scoped3A : memref<!tpu.dma_semaphore, #tpu.memory_space<semaphore_mem>>)
      %dma_wait3A_357 = tpu.memref_slice %arg2[%add3A_183] : memref<640000xi32, #tpu.memory_space<hbm>> -> memref<2000xi32, #tpu.memory_space<hbm>>
      %dma_wait3A_358 = tpu.memref_slice %arg2[%add3A_183] : memref<640000xi32, #tpu.memory_space<hbm>> -> memref<2000xi32, #tpu.memory_space<hbm>>
      tpu.wait_dma2 semaphore(%run_scoped3A : memref<!tpu.dma_semaphore, #tpu.memory_space<semaphore_mem>>) src(%dma_wait3A_358 : memref<2000xi32, #tpu.memory_space<hbm>>) dst(%arg10 : memref<2000xi32, #tpu.memory_space<vmem>>)
      tpu.yield
    }) : () -> ()
    %dma_start3A_184 = arith.constant 0 : i32
    %dma_start3A_185 = tpu.memref_slice %arg5[%dma_start3A_184] : memref<10000xf32, #tpu.memory_space<vmem_shared>> -> memref<10000xf32, #tpu.memory_space<vmem_shared>>
    tpu.enqueue_indirect_dma source(%arg17 : memref<2000xf32, #tpu.memory_space<vmem>>) target(%dma_start3A_185 : memref<10000xf32, #tpu.memory_space<vmem_shared>>) offsets(%arg10 : memref<2000xi32, #tpu.memory_space<vmem>>) semaphore(%arg22 : memref<!tpu.dma_semaphore, #tpu.memory_space<semaphore_mem>>) {add = true}
    %dma_wait3A_186 = arith.constant 0 : i32
    %dma_wait3A_187 = tpu.memref_slice %arg5[%dma_wait3A_186] : memref<10000xf32, #tpu.memory_space<vmem_shared>> -> memref<10000xf32, #tpu.memory_space<vmem_shared>>
    tpu.wait_indirect_dma semaphore(%arg21 : memref<!tpu.dma_semaphore, #tpu.memory_space<semaphore_mem>>) src(%arg17 : memref<2000xf32, #tpu.memory_space<vmem>>) dst(%dma_wait3A_187 : memref<10000xf32, #tpu.memory_space<vmem_shared>>)
    %dma_wait3A_188 = arith.constant 0 : i32
    %dma_wait3A_189 = tpu.memref_slice %arg5[%dma_wait3A_188] : memref<10000xf32, #tpu.memory_space<vmem_shared>> -> memref<10000xf32, #tpu.memory_space<vmem_shared>>
    tpu.wait_indirect_dma semaphore(%arg22 : memref<!tpu.dma_semaphore, #tpu.memory_space<semaphore_mem>>) src(%arg17 : memref<2000xf32, #tpu.memory_space<vmem>>) dst(%dma_wait3A_189 : memref<10000xf32, #tpu.memory_space<vmem_shared>>)
    %dma_wait3A_190 = arith.constant 0 : i32
    %dma_wait3A_191 = tpu.memref_slice %arg5[%dma_wait3A_190] : memref<10000xf32, #tpu.memory_space<vmem_shared>> -> memref<10000xf32, #tpu.memory_space<vmem_shared>>
    tpu.wait_indirect_dma semaphore(%arg23 : memref<!tpu.dma_semaphore, #tpu.memory_space<semaphore_mem>>) src(%arg17 : memref<2000xf32, #tpu.memory_space<vmem>>) dst(%dma_wait3A_191 : memref<10000xf32, #tpu.memory_space<vmem_shared>>)
    %dma_wait3A_192 = arith.constant 0 : i32
    %dma_wait3A_193 = tpu.memref_slice %arg5[%dma_wait3A_192] : memref<10000xf32, #tpu.memory_space<vmem_shared>> -> memref<10000xf32, #tpu.memory_space<vmem_shared>>
    tpu.wait_indirect_dma semaphore(%arg24 : memref<!tpu.dma_semaphore, #tpu.memory_space<semaphore_mem>>) src(%arg17 : memref<2000xf32, #tpu.memory_space<vmem>>) dst(%dma_wait3A_193 : memref<10000xf32, #tpu.memory_space<vmem_shared>>)
    %barrier3A_194 = arith.constant 0 : index
    tpu.barrier barrier_id(%barrier3A_194)
    %mul3A_195 = arith.constant 160000 : i32
    %mul3A_196 = arith.muli %arg0, %mul3A_195 : i32
    %mul3A_197 = arith.constant 10000 : i32
    %mul3A_198 = arith.muli %arg1, %mul3A_197 : i32
    %add3A_199 = arith.addi %mul3A_196, %mul3A_198 : i32
    "tpu.region"() ({
      %run_scoped3A = tpu.sem_alloc : memref<!tpu.dma_semaphore, #tpu.memory_space<semaphore_mem>>
      %dma_start3A_355 = tpu.memref_slice %arg2[%add3A_199] : memref<640000xi32, #tpu.memory_space<hbm>> -> memref<2000xi32, #tpu.memory_space<hbm>>
      %dma_start3A_356 = tpu.memref_slice %arg2[%add3A_199] : memref<640000xi32, #tpu.memory_space<hbm>> -> memref<2000xi32, #tpu.memory_space<hbm>>
      tpu.enqueue_dma source(%dma_start3A_356 : memref<2000xi32, #tpu.memory_space<hbm>>) target(%arg7 : memref<2000xi32, #tpu.memory_space<vmem>>) target_semaphore(%run_scoped3A : memref<!tpu.dma_semaphore, #tpu.memory_space<semaphore_mem>>)
      %dma_wait3A_357 = tpu.memref_slice %arg2[%add3A_199] : memref<640000xi32, #tpu.memory_space<hbm>> -> memref<2000xi32, #tpu.memory_space<hbm>>
      %dma_wait3A_358 = tpu.memref_slice %arg2[%add3A_199] : memref<640000xi32, #tpu.memory_space<hbm>> -> memref<2000xi32, #tpu.memory_space<hbm>>
      tpu.wait_dma2 semaphore(%run_scoped3A : memref<!tpu.dma_semaphore, #tpu.memory_space<semaphore_mem>>) src(%dma_wait3A_358 : memref<2000xi32, #tpu.memory_space<hbm>>) dst(%arg7 : memref<2000xi32, #tpu.memory_space<vmem>>)
      tpu.yield
    }) : () -> ()
    %add3A_200 = arith.constant 320000 : i32
    %add3A_201 = arith.addi %add3A_200, %add3A_199 : i32
    "tpu.region"() ({
      %run_scoped3A = tpu.sem_alloc : memref<!tpu.dma_semaphore, #tpu.memory_space<semaphore_mem>>
      %dma_start3A_355 = tpu.memref_slice %arg2[%add3A_201] : memref<640000xi32, #tpu.memory_space<hbm>> -> memref<2000xi32, #tpu.memory_space<hbm>>
      %dma_start3A_356 = tpu.memref_slice %arg2[%add3A_201] : memref<640000xi32, #tpu.memory_space<hbm>> -> memref<2000xi32, #tpu.memory_space<hbm>>
      tpu.enqueue_dma source(%dma_start3A_356 : memref<2000xi32, #tpu.memory_space<hbm>>) target(%arg11 : memref<2000xi32, #tpu.memory_space<vmem>>) target_semaphore(%run_scoped3A : memref<!tpu.dma_semaphore, #tpu.memory_space<semaphore_mem>>)
      %dma_wait3A_357 = tpu.memref_slice %arg2[%add3A_201] : memref<640000xi32, #tpu.memory_space<hbm>> -> memref<2000xi32, #tpu.memory_space<hbm>>
      %dma_wait3A_358 = tpu.memref_slice %arg2[%add3A_201] : memref<640000xi32, #tpu.memory_space<hbm>> -> memref<2000xi32, #tpu.memory_space<hbm>>
      tpu.wait_dma2 semaphore(%run_scoped3A : memref<!tpu.dma_semaphore, #tpu.memory_space<semaphore_mem>>) src(%dma_wait3A_358 : memref<2000xi32, #tpu.memory_space<hbm>>) dst(%arg11 : memref<2000xi32, #tpu.memory_space<vmem>>)
      tpu.yield
    }) : () -> ()
    %dma_start3A_202 = arith.constant 0 : i32
    %dma_start3A_203 = tpu.memref_slice %arg5[%dma_start3A_202] : memref<10000xf32, #tpu.memory_space<vmem_shared>> -> memref<10000xf32, #tpu.memory_space<vmem_shared>>
    tpu.enqueue_indirect_dma source(%dma_start3A_203 : memref<10000xf32, #tpu.memory_space<vmem_shared>>) target(%arg13 : memref<2000xf32, #tpu.memory_space<vmem>>) offsets(%arg7 : memref<2000xi32, #tpu.memory_space<vmem>>) semaphore(%arg19 : memref<!tpu.dma_semaphore, #tpu.memory_space<semaphore_mem>>)
    %dma_wait3A_204 = arith.constant 0 : i32
    %dma_wait3A_205 = tpu.memref_slice %arg5[%dma_wait3A_204] : memref<10000xf32, #tpu.memory_space<vmem_shared>> -> memref<10000xf32, #tpu.memory_space<vmem_shared>>
    tpu.wait_indirect_dma semaphore(%arg19 : memref<!tpu.dma_semaphore, #tpu.memory_space<semaphore_mem>>) src(%dma_wait3A_205 : memref<10000xf32, #tpu.memory_space<vmem_shared>>) dst(%arg13 : memref<2000xf32, #tpu.memory_space<vmem>>)
    %add3A_206 = arith.constant 2000 : i32
    %add3A_207 = arith.addi %add3A_199, %add3A_206 : i32
    "tpu.region"() ({
      %run_scoped3A = tpu.sem_alloc : memref<!tpu.dma_semaphore, #tpu.memory_space<semaphore_mem>>
      %dma_start3A_355 = tpu.memref_slice %arg2[%add3A_207] : memref<640000xi32, #tpu.memory_space<hbm>> -> memref<2000xi32, #tpu.memory_space<hbm>>
      %dma_start3A_356 = tpu.memref_slice %arg2[%add3A_207] : memref<640000xi32, #tpu.memory_space<hbm>> -> memref<2000xi32, #tpu.memory_space<hbm>>
      tpu.enqueue_dma source(%dma_start3A_356 : memref<2000xi32, #tpu.memory_space<hbm>>) target(%arg8 : memref<2000xi32, #tpu.memory_space<vmem>>) target_semaphore(%run_scoped3A : memref<!tpu.dma_semaphore, #tpu.memory_space<semaphore_mem>>)
      %dma_wait3A_357 = tpu.memref_slice %arg2[%add3A_207] : memref<640000xi32, #tpu.memory_space<hbm>> -> memref<2000xi32, #tpu.memory_space<hbm>>
      %dma_wait3A_358 = tpu.memref_slice %arg2[%add3A_207] : memref<640000xi32, #tpu.memory_space<hbm>> -> memref<2000xi32, #tpu.memory_space<hbm>>
      tpu.wait_dma2 semaphore(%run_scoped3A : memref<!tpu.dma_semaphore, #tpu.memory_space<semaphore_mem>>) src(%dma_wait3A_358 : memref<2000xi32, #tpu.memory_space<hbm>>) dst(%arg8 : memref<2000xi32, #tpu.memory_space<vmem>>)
      tpu.yield
    }) : () -> ()
    %add3A_208 = arith.constant 320000 : i32
    %add3A_209 = arith.addi %add3A_208, %add3A_199 : i32
    %add3A_210 = arith.constant 2000 : i32
    %add3A_211 = arith.addi %add3A_209, %add3A_210 : i32
    "tpu.region"() ({
      %run_scoped3A = tpu.sem_alloc : memref<!tpu.dma_semaphore, #tpu.memory_space<semaphore_mem>>
      %dma_start3A_355 = tpu.memref_slice %arg2[%add3A_211] : memref<640000xi32, #tpu.memory_space<hbm>> -> memref<2000xi32, #tpu.memory_space<hbm>>
      %dma_start3A_356 = tpu.memref_slice %arg2[%add3A_211] : memref<640000xi32, #tpu.memory_space<hbm>> -> memref<2000xi32, #tpu.memory_space<hbm>>
      tpu.enqueue_dma source(%dma_start3A_356 : memref<2000xi32, #tpu.memory_space<hbm>>) target(%arg12 : memref<2000xi32, #tpu.memory_space<vmem>>) target_semaphore(%run_scoped3A : memref<!tpu.dma_semaphore, #tpu.memory_space<semaphore_mem>>)
      %dma_wait3A_357 = tpu.memref_slice %arg2[%add3A_211] : memref<640000xi32, #tpu.memory_space<hbm>> -> memref<2000xi32, #tpu.memory_space<hbm>>
      %dma_wait3A_358 = tpu.memref_slice %arg2[%add3A_211] : memref<640000xi32, #tpu.memory_space<hbm>> -> memref<2000xi32, #tpu.memory_space<hbm>>
      tpu.wait_dma2 semaphore(%run_scoped3A : memref<!tpu.dma_semaphore, #tpu.memory_space<semaphore_mem>>) src(%dma_wait3A_358 : memref<2000xi32, #tpu.memory_space<hbm>>) dst(%arg12 : memref<2000xi32, #tpu.memory_space<vmem>>)
      tpu.yield
    }) : () -> ()
    %dma_start3A_212 = arith.constant 0 : i32
    %dma_start3A_213 = tpu.memref_slice %arg5[%dma_start3A_212] : memref<10000xf32, #tpu.memory_space<vmem_shared>> -> memref<10000xf32, #tpu.memory_space<vmem_shared>>
    tpu.enqueue_indirect_dma source(%dma_start3A_213 : memref<10000xf32, #tpu.memory_space<vmem_shared>>) target(%arg14 : memref<2000xf32, #tpu.memory_space<vmem>>) offsets(%arg8 : memref<2000xi32, #tpu.memory_space<vmem>>) semaphore(%arg20 : memref<!tpu.dma_semaphore, #tpu.memory_space<semaphore_mem>>)
    %scan3A_214 = arith.constant 0 : i32
    %scan3A_215 = arith.constant 125 : i32
    %scan3A_216 = arith.addi %scan3A_214, %scan3A_215 : i32
    %scan3A_217 = arith.constant 1 : i32
    %scan3A_218 = scf.for %scan3A_355 = %scan3A_214 to %scan3A_216 step %scan3A_217 iter_args(%scan3A_356 = %broadcast_in_dim3A_2) -> (vector<16xf32>)  : i32 {
      %mul3A_357 = arith.constant 16 : i32
      %mul3A_358 = arith.muli %scan3A_355, %mul3A_357 : i32
      %get3A = arith.index_cast %mul3A_358 : i32 to index
      %get3A_359 = tpu.vector_load %arg13[%get3A] {strides = array<i32>} : memref<2000xf32, #tpu.memory_space<vmem>>, vector<16xf32>,
      %get3A_360 = vector.shape_cast %get3A_359 : vector<16xf32> to vector<16xf32>
      %convert_element_type3A_361 = arith.fptosi %get3A_360 : vector<16xf32> to vector<16xi32>
      %mul3A_362 = arith.constant 16 : i32
      %mul3A_363 = arith.muli %scan3A_355, %mul3A_362 : i32
      %get3A_364 = arith.index_cast %mul3A_363 : i32 to index
      %get3A_365 = tpu.vector_load %arg11[%get3A_364] {strides = array<i32>} : memref<2000xi32, #tpu.memory_space<vmem>>, vector<16xi32>,
      %get3A_366 = vector.shape_cast %get3A_365 : vector<16xi32> to vector<16xi32>
      %min3A = arith.constant 126 : i32
      %min3A_367 = vector.broadcast %min3A : i32 to vector<16xi32>
      %min3A_368 = arith.minsi %convert_element_type3A_361, %min3A_367 : vector<16xi32>
      %mul3A_369 = arith.constant 128 : i32
      %mul3A_370 = vector.broadcast %mul3A_369 : i32 to vector<16xi32>
      %mul3A_371 = arith.muli %get3A_366, %mul3A_370 : vector<16xi32>
      %add3A_372 = arith.addi %mul3A_371, %min3A_368 : vector<16xi32>
      %mul3A_373 = arith.constant 16 : i32
      %mul3A_374 = arith.muli %scan3A_355, %mul3A_373 : i32
      %swap3A = arith.index_cast %mul3A_374 : i32 to index
      %swap3A_375 = tpu.vector_load %arg15[%swap3A] {strides = array<i32>} : memref<2000xi32, #tpu.memory_space<vmem>>, vector<16xi32>,
      %swap3A_376 = vector.shape_cast %swap3A_375 : vector<16xi32> to vector<16xi32>
      %swap3A_377 = vector.shape_cast %add3A_372 : vector<16xi32> to vector<16xi32>
      tpu.vector_store %arg15[%swap3A], %swap3A_377 {strides = array<i32>} : memref<2000xi32, #tpu.memory_space<vmem>>, vector<16xi32>,
      %max3A_378 = arith.maximumf %scan3A_356, %get3A_360 : vector<16xf32>
      scf.yield %max3A_378 : vector<16xf32>
    }
    %scan3A_219 = arith.constant 125 : i32
    %dma_start3A_220 = arith.constant 0 : i32
    %dma_start3A_221 = tpu.memref_slice %arg6[%dma_start3A_220] : memref<1280000xf32, #tpu.memory_space<vmem_shared>> -> memref<1280000xf32, #tpu.memory_space<vmem_shared>>
    tpu.enqueue_indirect_dma source(%arg17 : memref<2000xf32, #tpu.memory_space<vmem>>) target(%dma_start3A_221 : memref<1280000xf32, #tpu.memory_space<vmem_shared>>) offsets(%arg15 : memref<2000xi32, #tpu.memory_space<vmem>>) semaphore(%arg21 : memref<!tpu.dma_semaphore, #tpu.memory_space<semaphore_mem>>) {add = true}
    %dma_wait3A_222 = arith.constant 0 : i32
    %dma_wait3A_223 = tpu.memref_slice %arg5[%dma_wait3A_222] : memref<10000xf32, #tpu.memory_space<vmem_shared>> -> memref<10000xf32, #tpu.memory_space<vmem_shared>>
    tpu.wait_indirect_dma semaphore(%arg20 : memref<!tpu.dma_semaphore, #tpu.memory_space<semaphore_mem>>) src(%dma_wait3A_223 : memref<10000xf32, #tpu.memory_space<vmem_shared>>) dst(%arg14 : memref<2000xf32, #tpu.memory_space<vmem>>)
    %add3A_224 = arith.constant 4000 : i32
    %add3A_225 = arith.addi %add3A_199, %add3A_224 : i32
    "tpu.region"() ({
      %run_scoped3A = tpu.sem_alloc : memref<!tpu.dma_semaphore, #tpu.memory_space<semaphore_mem>>
      %dma_start3A_355 = tpu.memref_slice %arg2[%add3A_225] : memref<640000xi32, #tpu.memory_space<hbm>> -> memref<2000xi32, #tpu.memory_space<hbm>>
      %dma_start3A_356 = tpu.memref_slice %arg2[%add3A_225] : memref<640000xi32, #tpu.memory_space<hbm>> -> memref<2000xi32, #tpu.memory_space<hbm>>
      tpu.enqueue_dma source(%dma_start3A_356 : memref<2000xi32, #tpu.memory_space<hbm>>) target(%arg7 : memref<2000xi32, #tpu.memory_space<vmem>>) target_semaphore(%run_scoped3A : memref<!tpu.dma_semaphore, #tpu.memory_space<semaphore_mem>>)
      %dma_wait3A_357 = tpu.memref_slice %arg2[%add3A_225] : memref<640000xi32, #tpu.memory_space<hbm>> -> memref<2000xi32, #tpu.memory_space<hbm>>
      %dma_wait3A_358 = tpu.memref_slice %arg2[%add3A_225] : memref<640000xi32, #tpu.memory_space<hbm>> -> memref<2000xi32, #tpu.memory_space<hbm>>
      tpu.wait_dma2 semaphore(%run_scoped3A : memref<!tpu.dma_semaphore, #tpu.memory_space<semaphore_mem>>) src(%dma_wait3A_358 : memref<2000xi32, #tpu.memory_space<hbm>>) dst(%arg7 : memref<2000xi32, #tpu.memory_space<vmem>>)
      tpu.yield
    }) : () -> ()
    %add3A_226 = arith.constant 320000 : i32
    %add3A_227 = arith.addi %add3A_226, %add3A_199 : i32
    %add3A_228 = arith.constant 4000 : i32
    %add3A_229 = arith.addi %add3A_227, %add3A_228 : i32
    "tpu.region"() ({
      %run_scoped3A = tpu.sem_alloc : memref<!tpu.dma_semaphore, #tpu.memory_space<semaphore_mem>>
      %dma_start3A_355 = tpu.memref_slice %arg2[%add3A_229] : memref<640000xi32, #tpu.memory_space<hbm>> -> memref<2000xi32, #tpu.memory_space<hbm>>
      %dma_start3A_356 = tpu.memref_slice %arg2[%add3A_229] : memref<640000xi32, #tpu.memory_space<hbm>> -> memref<2000xi32, #tpu.memory_space<hbm>>
      tpu.enqueue_dma source(%dma_start3A_356 : memref<2000xi32, #tpu.memory_space<hbm>>) target(%arg11 : memref<2000xi32, #tpu.memory_space<vmem>>) target_semaphore(%run_scoped3A : memref<!tpu.dma_semaphore, #tpu.memory_space<semaphore_mem>>)
      %dma_wait3A_357 = tpu.memref_slice %arg2[%add3A_229] : memref<640000xi32, #tpu.memory_space<hbm>> -> memref<2000xi32, #tpu.memory_space<hbm>>
      %dma_wait3A_358 = tpu.memref_slice %arg2[%add3A_229] : memref<640000xi32, #tpu.memory_space<hbm>> -> memref<2000xi32, #tpu.memory_space<hbm>>
      tpu.wait_dma2 semaphore(%run_scoped3A : memref<!tpu.dma_semaphore, #tpu.memory_space<semaphore_mem>>) src(%dma_wait3A_358 : memref<2000xi32, #tpu.memory_space<hbm>>) dst(%arg11 : memref<2000xi32, #tpu.memory_space<vmem>>)
      tpu.yield
    }) : () -> ()
    %dma_start3A_230 = arith.constant 0 : i32
    %dma_start3A_231 = tpu.memref_slice %arg5[%dma_start3A_230] : memref<10000xf32, #tpu.memory_space<vmem_shared>> -> memref<10000xf32, #tpu.memory_space<vmem_shared>>
    tpu.enqueue_indirect_dma source(%dma_start3A_231 : memref<10000xf32, #tpu.memory_space<vmem_shared>>) target(%arg13 : memref<2000xf32, #tpu.memory_space<vmem>>) offsets(%arg7 : memref<2000xi32, #tpu.memory_space<vmem>>) semaphore(%arg19 : memref<!tpu.dma_semaphore, #tpu.memory_space<semaphore_mem>>)
    %scan3A_232 = arith.constant 0 : i32
    %scan3A_233 = arith.constant 125 : i32
    %scan3A_234 = arith.addi %scan3A_232, %scan3A_233 : i32
    %scan3A_235 = arith.constant 1 : i32
    %scan3A_236 = scf.for %scan3A_355 = %scan3A_232 to %scan3A_234 step %scan3A_235 iter_args(%scan3A_356 = %scan3A_218) -> (vector<16xf32>)  : i32 {
      %mul3A_357 = arith.constant 16 : i32
      %mul3A_358 = arith.muli %scan3A_355, %mul3A_357 : i32
      %get3A = arith.index_cast %mul3A_358 : i32 to index
      %get3A_359 = tpu.vector_load %arg14[%get3A] {strides = array<i32>} : memref<2000xf32, #tpu.memory_space<vmem>>, vector<16xf32>,
      %get3A_360 = vector.shape_cast %get3A_359 : vector<16xf32> to vector<16xf32>
      %convert_element_type3A_361 = arith.fptosi %get3A_360 : vector<16xf32> to vector<16xi32>
      %mul3A_362 = arith.constant 16 : i32
      %mul3A_363 = arith.muli %scan3A_355, %mul3A_362 : i32
      %get3A_364 = arith.index_cast %mul3A_363 : i32 to index
      %get3A_365 = tpu.vector_load %arg12[%get3A_364] {strides = array<i32>} : memref<2000xi32, #tpu.memory_space<vmem>>, vector<16xi32>,
      %get3A_366 = vector.shape_cast %get3A_365 : vector<16xi32> to vector<16xi32>
      %min3A = arith.constant 126 : i32
      %min3A_367 = vector.broadcast %min3A : i32 to vector<16xi32>
      %min3A_368 = arith.minsi %convert_element_type3A_361, %min3A_367 : vector<16xi32>
      %mul3A_369 = arith.constant 128 : i32
      %mul3A_370 = vector.broadcast %mul3A_369 : i32 to vector<16xi32>
      %mul3A_371 = arith.muli %get3A_366, %mul3A_370 : vector<16xi32>
      %add3A_372 = arith.addi %mul3A_371, %min3A_368 : vector<16xi32>
      %mul3A_373 = arith.constant 16 : i32
      %mul3A_374 = arith.muli %scan3A_355, %mul3A_373 : i32
      %swap3A = arith.index_cast %mul3A_374 : i32 to index
      %swap3A_375 = tpu.vector_load %arg16[%swap3A] {strides = array<i32>} : memref<2000xi32, #tpu.memory_space<vmem>>, vector<16xi32>,
      %swap3A_376 = vector.shape_cast %swap3A_375 : vector<16xi32> to vector<16xi32>
      %swap3A_377 = vector.shape_cast %add3A_372 : vector<16xi32> to vector<16xi32>
      tpu.vector_store %arg16[%swap3A], %swap3A_377 {strides = array<i32>} : memref<2000xi32, #tpu.memory_space<vmem>>, vector<16xi32>,
      %max3A_378 = arith.maximumf %scan3A_356, %get3A_360 : vector<16xf32>
      scf.yield %max3A_378 : vector<16xf32>
    }
    %scan3A_237 = arith.constant 125 : i32
    %dma_start3A_238 = arith.constant 0 : i32
    %dma_start3A_239 = tpu.memref_slice %arg6[%dma_start3A_238] : memref<1280000xf32, #tpu.memory_space<vmem_shared>> -> memref<1280000xf32, #tpu.memory_space<vmem_shared>>
    tpu.enqueue_indirect_dma source(%arg17 : memref<2000xf32, #tpu.memory_space<vmem>>) target(%dma_start3A_239 : memref<1280000xf32, #tpu.memory_space<vmem_shared>>) offsets(%arg16 : memref<2000xi32, #tpu.memory_space<vmem>>) semaphore(%arg22 : memref<!tpu.dma_semaphore, #tpu.memory_space<semaphore_mem>>) {add = true}
    %dma_wait3A_240 = arith.constant 0 : i32
    %dma_wait3A_241 = tpu.memref_slice %arg6[%dma_wait3A_240] : memref<1280000xf32, #tpu.memory_space<vmem_shared>> -> memref<1280000xf32, #tpu.memory_space<vmem_shared>>
    tpu.wait_indirect_dma semaphore(%arg21 : memref<!tpu.dma_semaphore, #tpu.memory_space<semaphore_mem>>) src(%arg17 : memref<2000xf32, #tpu.memory_space<vmem>>) dst(%dma_wait3A_241 : memref<1280000xf32, #tpu.memory_space<vmem_shared>>)
    %dma_wait3A_242 = arith.constant 0 : i32
    %dma_wait3A_243 = tpu.memref_slice %arg5[%dma_wait3A_242] : memref<10000xf32, #tpu.memory_space<vmem_shared>> -> memref<10000xf32, #tpu.memory_space<vmem_shared>>
    tpu.wait_indirect_dma semaphore(%arg19 : memref<!tpu.dma_semaphore, #tpu.memory_space<semaphore_mem>>) src(%dma_wait3A_243 : memref<10000xf32, #tpu.memory_space<vmem_shared>>) dst(%arg13 : memref<2000xf32, #tpu.memory_space<vmem>>)
    %add3A_244 = arith.constant 6000 : i32
    %add3A_245 = arith.addi %add3A_199, %add3A_244 : i32
    "tpu.region"() ({
      %run_scoped3A = tpu.sem_alloc : memref<!tpu.dma_semaphore, #tpu.memory_space<semaphore_mem>>
      %dma_start3A_355 = tpu.memref_slice %arg2[%add3A_245] : memref<640000xi32, #tpu.memory_space<hbm>> -> memref<2000xi32, #tpu.memory_space<hbm>>
      %dma_start3A_356 = tpu.memref_slice %arg2[%add3A_245] : memref<640000xi32, #tpu.memory_space<hbm>> -> memref<2000xi32, #tpu.memory_space<hbm>>
      tpu.enqueue_dma source(%dma_start3A_356 : memref<2000xi32, #tpu.memory_space<hbm>>) target(%arg8 : memref<2000xi32, #tpu.memory_space<vmem>>) target_semaphore(%run_scoped3A : memref<!tpu.dma_semaphore, #tpu.memory_space<semaphore_mem>>)
      %dma_wait3A_357 = tpu.memref_slice %arg2[%add3A_245] : memref<640000xi32, #tpu.memory_space<hbm>> -> memref<2000xi32, #tpu.memory_space<hbm>>
      %dma_wait3A_358 = tpu.memref_slice %arg2[%add3A_245] : memref<640000xi32, #tpu.memory_space<hbm>> -> memref<2000xi32, #tpu.memory_space<hbm>>
      tpu.wait_dma2 semaphore(%run_scoped3A : memref<!tpu.dma_semaphore, #tpu.memory_space<semaphore_mem>>) src(%dma_wait3A_358 : memref<2000xi32, #tpu.memory_space<hbm>>) dst(%arg8 : memref<2000xi32, #tpu.memory_space<vmem>>)
      tpu.yield
    }) : () -> ()
    %add3A_246 = arith.constant 320000 : i32
    %add3A_247 = arith.addi %add3A_246, %add3A_199 : i32
    %add3A_248 = arith.constant 6000 : i32
    %add3A_249 = arith.addi %add3A_247, %add3A_248 : i32
    "tpu.region"() ({
      %run_scoped3A = tpu.sem_alloc : memref<!tpu.dma_semaphore, #tpu.memory_space<semaphore_mem>>
      %dma_start3A_355 = tpu.memref_slice %arg2[%add3A_249] : memref<640000xi32, #tpu.memory_space<hbm>> -> memref<2000xi32, #tpu.memory_space<hbm>>
      %dma_start3A_356 = tpu.memref_slice %arg2[%add3A_249] : memref<640000xi32, #tpu.memory_space<hbm>> -> memref<2000xi32, #tpu.memory_space<hbm>>
      tpu.enqueue_dma source(%dma_start3A_356 : memref<2000xi32, #tpu.memory_space<hbm>>) target(%arg12 : memref<2000xi32, #tpu.memory_space<vmem>>) target_semaphore(%run_scoped3A : memref<!tpu.dma_semaphore, #tpu.memory_space<semaphore_mem>>)
      %dma_wait3A_357 = tpu.memref_slice %arg2[%add3A_249] : memref<640000xi32, #tpu.memory_space<hbm>> -> memref<2000xi32, #tpu.memory_space<hbm>>
      %dma_wait3A_358 = tpu.memref_slice %arg2[%add3A_249] : memref<640000xi32, #tpu.memory_space<hbm>> -> memref<2000xi32, #tpu.memory_space<hbm>>
      tpu.wait_dma2 semaphore(%run_scoped3A : memref<!tpu.dma_semaphore, #tpu.memory_space<semaphore_mem>>) src(%dma_wait3A_358 : memref<2000xi32, #tpu.memory_space<hbm>>) dst(%arg12 : memref<2000xi32, #tpu.memory_space<vmem>>)
      tpu.yield
    }) : () -> ()
    %dma_start3A_250 = arith.constant 0 : i32
    %dma_start3A_251 = tpu.memref_slice %arg5[%dma_start3A_250] : memref<10000xf32, #tpu.memory_space<vmem_shared>> -> memref<10000xf32, #tpu.memory_space<vmem_shared>>
    tpu.enqueue_indirect_dma source(%dma_start3A_251 : memref<10000xf32, #tpu.memory_space<vmem_shared>>) target(%arg14 : memref<2000xf32, #tpu.memory_space<vmem>>) offsets(%arg8 : memref<2000xi32, #tpu.memory_space<vmem>>) semaphore(%arg20 : memref<!tpu.dma_semaphore, #tpu.memory_space<semaphore_mem>>)
    %scan3A_252 = arith.constant 0 : i32
    %scan3A_253 = arith.constant 125 : i32
    %scan3A_254 = arith.addi %scan3A_252, %scan3A_253 : i32
    %scan3A_255 = arith.constant 1 : i32
    %scan3A_256 = scf.for %scan3A_355 = %scan3A_252 to %scan3A_254 step %scan3A_255 iter_args(%scan3A_356 = %scan3A_236) -> (vector<16xf32>)  : i32 {
      %mul3A_357 = arith.constant 16 : i32
      %mul3A_358 = arith.muli %scan3A_355, %mul3A_357 : i32
      %get3A = arith.index_cast %mul3A_358 : i32 to index
      %get3A_359 = tpu.vector_load %arg13[%get3A] {strides = array<i32>} : memref<2000xf32, #tpu.memory_space<vmem>>, vector<16xf32>,
      %get3A_360 = vector.shape_cast %get3A_359 : vector<16xf32> to vector<16xf32>
      %convert_element_type3A_361 = arith.fptosi %get3A_360 : vector<16xf32> to vector<16xi32>
      %mul3A_362 = arith.constant 16 : i32
      %mul3A_363 = arith.muli %scan3A_355, %mul3A_362 : i32
      %get3A_364 = arith.index_cast %mul3A_363 : i32 to index
      %get3A_365 = tpu.vector_load %arg11[%get3A_364] {strides = array<i32>} : memref<2000xi32, #tpu.memory_space<vmem>>, vector<16xi32>,
      %get3A_366 = vector.shape_cast %get3A_365 : vector<16xi32> to vector<16xi32>
      %min3A = arith.constant 126 : i32
      %min3A_367 = vector.broadcast %min3A : i32 to vector<16xi32>
      %min3A_368 = arith.minsi %convert_element_type3A_361, %min3A_367 : vector<16xi32>
      %mul3A_369 = arith.constant 128 : i32
      %mul3A_370 = vector.broadcast %mul3A_369 : i32 to vector<16xi32>
      %mul3A_371 = arith.muli %get3A_366, %mul3A_370 : vector<16xi32>
      %add3A_372 = arith.addi %mul3A_371, %min3A_368 : vector<16xi32>
      %mul3A_373 = arith.constant 16 : i32
      %mul3A_374 = arith.muli %scan3A_355, %mul3A_373 : i32
      %swap3A = arith.index_cast %mul3A_374 : i32 to index
      %swap3A_375 = tpu.vector_load %arg15[%swap3A] {strides = array<i32>} : memref<2000xi32, #tpu.memory_space<vmem>>, vector<16xi32>,
      %swap3A_376 = vector.shape_cast %swap3A_375 : vector<16xi32> to vector<16xi32>
      %swap3A_377 = vector.shape_cast %add3A_372 : vector<16xi32> to vector<16xi32>
      tpu.vector_store %arg15[%swap3A], %swap3A_377 {strides = array<i32>} : memref<2000xi32, #tpu.memory_space<vmem>>, vector<16xi32>,
      %max3A_378 = arith.maximumf %scan3A_356, %get3A_360 : vector<16xf32>
      scf.yield %max3A_378 : vector<16xf32>
    }
    %scan3A_257 = arith.constant 125 : i32
    %dma_start3A_258 = arith.constant 0 : i32
    %dma_start3A_259 = tpu.memref_slice %arg6[%dma_start3A_258] : memref<1280000xf32, #tpu.memory_space<vmem_shared>> -> memref<1280000xf32, #tpu.memory_space<vmem_shared>>
    tpu.enqueue_indirect_dma source(%arg17 : memref<2000xf32, #tpu.memory_space<vmem>>) target(%dma_start3A_259 : memref<1280000xf32, #tpu.memory_space<vmem_shared>>) offsets(%arg15 : memref<2000xi32, #tpu.memory_space<vmem>>) semaphore(%arg21 : memref<!tpu.dma_semaphore, #tpu.memory_space<semaphore_mem>>) {add = true}
    %dma_wait3A_260 = arith.constant 0 : i32
    %dma_wait3A_261 = tpu.memref_slice %arg6[%dma_wait3A_260] : memref<1280000xf32, #tpu.memory_space<vmem_shared>> -> memref<1280000xf32, #tpu.memory_space<vmem_shared>>
    tpu.wait_indirect_dma semaphore(%arg22 : memref<!tpu.dma_semaphore, #tpu.memory_space<semaphore_mem>>) src(%arg17 : memref<2000xf32, #tpu.memory_space<vmem>>) dst(%dma_wait3A_261 : memref<1280000xf32, #tpu.memory_space<vmem_shared>>)
    %dma_wait3A_262 = arith.constant 0 : i32
    %dma_wait3A_263 = tpu.memref_slice %arg5[%dma_wait3A_262] : memref<10000xf32, #tpu.memory_space<vmem_shared>> -> memref<10000xf32, #tpu.memory_space<vmem_shared>>
    tpu.wait_indirect_dma semaphore(%arg20 : memref<!tpu.dma_semaphore, #tpu.memory_space<semaphore_mem>>) src(%dma_wait3A_263 : memref<10000xf32, #tpu.memory_space<vmem_shared>>) dst(%arg14 : memref<2000xf32, #tpu.memory_space<vmem>>)
    %add3A_264 = arith.constant 8000 : i32
    %add3A_265 = arith.addi %add3A_199, %add3A_264 : i32
    "tpu.region"() ({
      %run_scoped3A = tpu.sem_alloc : memref<!tpu.dma_semaphore, #tpu.memory_space<semaphore_mem>>
      %dma_start3A_355 = tpu.memref_slice %arg2[%add3A_265] : memref<640000xi32, #tpu.memory_space<hbm>> -> memref<2000xi32, #tpu.memory_space<hbm>>
      %dma_start3A_356 = tpu.memref_slice %arg2[%add3A_265] : memref<640000xi32, #tpu.memory_space<hbm>> -> memref<2000xi32, #tpu.memory_space<hbm>>
      tpu.enqueue_dma source(%dma_start3A_356 : memref<2000xi32, #tpu.memory_space<hbm>>) target(%arg7 : memref<2000xi32, #tpu.memory_space<vmem>>) target_semaphore(%run_scoped3A : memref<!tpu.dma_semaphore, #tpu.memory_space<semaphore_mem>>)
      %dma_wait3A_357 = tpu.memref_slice %arg2[%add3A_265] : memref<640000xi32, #tpu.memory_space<hbm>> -> memref<2000xi32, #tpu.memory_space<hbm>>
      %dma_wait3A_358 = tpu.memref_slice %arg2[%add3A_265] : memref<640000xi32, #tpu.memory_space<hbm>> -> memref<2000xi32, #tpu.memory_space<hbm>>
      tpu.wait_dma2 semaphore(%run_scoped3A : memref<!tpu.dma_semaphore, #tpu.memory_space<semaphore_mem>>) src(%dma_wait3A_358 : memref<2000xi32, #tpu.memory_space<hbm>>) dst(%arg7 : memref<2000xi32, #tpu.memory_space<vmem>>)
      tpu.yield
    }) : () -> ()
    %add3A_266 = arith.constant 320000 : i32
    %add3A_267 = arith.addi %add3A_266, %add3A_199 : i32
    %add3A_268 = arith.constant 8000 : i32
    %add3A_269 = arith.addi %add3A_267, %add3A_268 : i32
    "tpu.region"() ({
      %run_scoped3A = tpu.sem_alloc : memref<!tpu.dma_semaphore, #tpu.memory_space<semaphore_mem>>
      %dma_start3A_355 = tpu.memref_slice %arg2[%add3A_269] : memref<640000xi32, #tpu.memory_space<hbm>> -> memref<2000xi32, #tpu.memory_space<hbm>>
      %dma_start3A_356 = tpu.memref_slice %arg2[%add3A_269] : memref<640000xi32, #tpu.memory_space<hbm>> -> memref<2000xi32, #tpu.memory_space<hbm>>
      tpu.enqueue_dma source(%dma_start3A_356 : memref<2000xi32, #tpu.memory_space<hbm>>) target(%arg11 : memref<2000xi32, #tpu.memory_space<vmem>>) target_semaphore(%run_scoped3A : memref<!tpu.dma_semaphore, #tpu.memory_space<semaphore_mem>>)
      %dma_wait3A_357 = tpu.memref_slice %arg2[%add3A_269] : memref<640000xi32, #tpu.memory_space<hbm>> -> memref<2000xi32, #tpu.memory_space<hbm>>
      %dma_wait3A_358 = tpu.memref_slice %arg2[%add3A_269] : memref<640000xi32, #tpu.memory_space<hbm>> -> memref<2000xi32, #tpu.memory_space<hbm>>
      tpu.wait_dma2 semaphore(%run_scoped3A : memref<!tpu.dma_semaphore, #tpu.memory_space<semaphore_mem>>) src(%dma_wait3A_358 : memref<2000xi32, #tpu.memory_space<hbm>>) dst(%arg11 : memref<2000xi32, #tpu.memory_space<vmem>>)
      tpu.yield
    }) : () -> ()
    %dma_start3A_270 = arith.constant 0 : i32
    %dma_start3A_271 = tpu.memref_slice %arg5[%dma_start3A_270] : memref<10000xf32, #tpu.memory_space<vmem_shared>> -> memref<10000xf32, #tpu.memory_space<vmem_shared>>
    tpu.enqueue_indirect_dma source(%dma_start3A_271 : memref<10000xf32, #tpu.memory_space<vmem_shared>>) target(%arg13 : memref<2000xf32, #tpu.memory_space<vmem>>) offsets(%arg7 : memref<2000xi32, #tpu.memory_space<vmem>>) semaphore(%arg19 : memref<!tpu.dma_semaphore, #tpu.memory_space<semaphore_mem>>)
    %scan3A_272 = arith.constant 0 : i32
    %scan3A_273 = arith.constant 125 : i32
    %scan3A_274 = arith.addi %scan3A_272, %scan3A_273 : i32
    %scan3A_275 = arith.constant 1 : i32
    %scan3A_276 = scf.for %scan3A_355 = %scan3A_272 to %scan3A_274 step %scan3A_275 iter_args(%scan3A_356 = %scan3A_256) -> (vector<16xf32>)  : i32 {
      %mul3A_357 = arith.constant 16 : i32
      %mul3A_358 = arith.muli %scan3A_355, %mul3A_357 : i32
      %get3A = arith.index_cast %mul3A_358 : i32 to index
      %get3A_359 = tpu.vector_load %arg14[%get3A] {strides = array<i32>} : memref<2000xf32, #tpu.memory_space<vmem>>, vector<16xf32>,
      %get3A_360 = vector.shape_cast %get3A_359 : vector<16xf32> to vector<16xf32>
      %convert_element_type3A_361 = arith.fptosi %get3A_360 : vector<16xf32> to vector<16xi32>
      %mul3A_362 = arith.constant 16 : i32
      %mul3A_363 = arith.muli %scan3A_355, %mul3A_362 : i32
      %get3A_364 = arith.index_cast %mul3A_363 : i32 to index
      %get3A_365 = tpu.vector_load %arg12[%get3A_364] {strides = array<i32>} : memref<2000xi32, #tpu.memory_space<vmem>>, vector<16xi32>,
      %get3A_366 = vector.shape_cast %get3A_365 : vector<16xi32> to vector<16xi32>
      %min3A = arith.constant 126 : i32
      %min3A_367 = vector.broadcast %min3A : i32 to vector<16xi32>
      %min3A_368 = arith.minsi %convert_element_type3A_361, %min3A_367 : vector<16xi32>
      %mul3A_369 = arith.constant 128 : i32
      %mul3A_370 = vector.broadcast %mul3A_369 : i32 to vector<16xi32>
      %mul3A_371 = arith.muli %get3A_366, %mul3A_370 : vector<16xi32>
      %add3A_372 = arith.addi %mul3A_371, %min3A_368 : vector<16xi32>
      %mul3A_373 = arith.constant 16 : i32
      %mul3A_374 = arith.muli %scan3A_355, %mul3A_373 : i32
      %swap3A = arith.index_cast %mul3A_374 : i32 to index
      %swap3A_375 = tpu.vector_load %arg16[%swap3A] {strides = array<i32>} : memref<2000xi32, #tpu.memory_space<vmem>>, vector<16xi32>,
      %swap3A_376 = vector.shape_cast %swap3A_375 : vector<16xi32> to vector<16xi32>
      %swap3A_377 = vector.shape_cast %add3A_372 : vector<16xi32> to vector<16xi32>
      tpu.vector_store %arg16[%swap3A], %swap3A_377 {strides = array<i32>} : memref<2000xi32, #tpu.memory_space<vmem>>, vector<16xi32>,
      %max3A_378 = arith.maximumf %scan3A_356, %get3A_360 : vector<16xf32>
      scf.yield %max3A_378 : vector<16xf32>
    }
    %scan3A_277 = arith.constant 125 : i32
    %dma_start3A_278 = arith.constant 0 : i32
    %dma_start3A_279 = tpu.memref_slice %arg6[%dma_start3A_278] : memref<1280000xf32, #tpu.memory_space<vmem_shared>> -> memref<1280000xf32, #tpu.memory_space<vmem_shared>>
    tpu.enqueue_indirect_dma source(%arg17 : memref<2000xf32, #tpu.memory_space<vmem>>) target(%dma_start3A_279 : memref<1280000xf32, #tpu.memory_space<vmem_shared>>) offsets(%arg16 : memref<2000xi32, #tpu.memory_space<vmem>>) semaphore(%arg22 : memref<!tpu.dma_semaphore, #tpu.memory_space<semaphore_mem>>) {add = true}
    %dma_wait3A_280 = arith.constant 0 : i32
    %dma_wait3A_281 = tpu.memref_slice %arg6[%dma_wait3A_280] : memref<1280000xf32, #tpu.memory_space<vmem_shared>> -> memref<1280000xf32, #tpu.memory_space<vmem_shared>>
    tpu.wait_indirect_dma semaphore(%arg21 : memref<!tpu.dma_semaphore, #tpu.memory_space<semaphore_mem>>) src(%arg17 : memref<2000xf32, #tpu.memory_space<vmem>>) dst(%dma_wait3A_281 : memref<1280000xf32, #tpu.memory_space<vmem_shared>>)
    %dma_wait3A_282 = arith.constant 0 : i32
    %dma_wait3A_283 = tpu.memref_slice %arg5[%dma_wait3A_282] : memref<10000xf32, #tpu.memory_space<vmem_shared>> -> memref<10000xf32, #tpu.memory_space<vmem_shared>>
    tpu.wait_indirect_dma semaphore(%arg19 : memref<!tpu.dma_semaphore, #tpu.memory_space<semaphore_mem>>) src(%dma_wait3A_283 : memref<10000xf32, #tpu.memory_space<vmem_shared>>) dst(%arg13 : memref<2000xf32, #tpu.memory_space<vmem>>)
    %scan3A_284 = arith.constant 0 : i32
    %scan3A_285 = arith.constant 125 : i32
    %scan3A_286 = arith.addi %scan3A_284, %scan3A_285 : i32
    %scan3A_287 = arith.constant 1 : i32
    %scan3A_288 = scf.for %scan3A_355 = %scan3A_284 to %scan3A_286 step %scan3A_287 iter_args(%scan3A_356 = %scan3A_276) -> (vector<16xf32>)  : i32 {
      %mul3A_357 = arith.constant 16 : i32
      %mul3A_358 = arith.muli %scan3A_355, %mul3A_357 : i32
      %get3A = arith.index_cast %mul3A_358 : i32 to index
      %get3A_359 = tpu.vector_load %arg13[%get3A] {strides = array<i32>} : memref<2000xf32, #tpu.memory_space<vmem>>, vector<16xf32>,
      %get3A_360 = vector.shape_cast %get3A_359 : vector<16xf32> to vector<16xf32>
      %convert_element_type3A_361 = arith.fptosi %get3A_360 : vector<16xf32> to vector<16xi32>
      %mul3A_362 = arith.constant 16 : i32
      %mul3A_363 = arith.muli %scan3A_355, %mul3A_362 : i32
      %get3A_364 = arith.index_cast %mul3A_363 : i32 to index
      %get3A_365 = tpu.vector_load %arg11[%get3A_364] {strides = array<i32>} : memref<2000xi32, #tpu.memory_space<vmem>>, vector<16xi32>,
      %get3A_366 = vector.shape_cast %get3A_365 : vector<16xi32> to vector<16xi32>
      %min3A = arith.constant 126 : i32
      %min3A_367 = vector.broadcast %min3A : i32 to vector<16xi32>
      %min3A_368 = arith.minsi %convert_element_type3A_361, %min3A_367 : vector<16xi32>
      %mul3A_369 = arith.constant 128 : i32
      %mul3A_370 = vector.broadcast %mul3A_369 : i32 to vector<16xi32>
      %mul3A_371 = arith.muli %get3A_366, %mul3A_370 : vector<16xi32>
      %add3A_372 = arith.addi %mul3A_371, %min3A_368 : vector<16xi32>
      %mul3A_373 = arith.constant 16 : i32
      %mul3A_374 = arith.muli %scan3A_355, %mul3A_373 : i32
      %swap3A = arith.index_cast %mul3A_374 : i32 to index
      %swap3A_375 = tpu.vector_load %arg15[%swap3A] {strides = array<i32>} : memref<2000xi32, #tpu.memory_space<vmem>>, vector<16xi32>,
      %swap3A_376 = vector.shape_cast %swap3A_375 : vector<16xi32> to vector<16xi32>
      %swap3A_377 = vector.shape_cast %add3A_372 : vector<16xi32> to vector<16xi32>
      tpu.vector_store %arg15[%swap3A], %swap3A_377 {strides = array<i32>} : memref<2000xi32, #tpu.memory_space<vmem>>, vector<16xi32>,
      %max3A_378 = arith.maximumf %scan3A_356, %get3A_360 : vector<16xf32>
      scf.yield %max3A_378 : vector<16xf32>
    }
    %scan3A_289 = arith.constant 125 : i32
    %dma_start3A_290 = arith.constant 0 : i32
    %dma_start3A_291 = tpu.memref_slice %arg6[%dma_start3A_290] : memref<1280000xf32, #tpu.memory_space<vmem_shared>> -> memref<1280000xf32, #tpu.memory_space<vmem_shared>>
    tpu.enqueue_indirect_dma source(%arg17 : memref<2000xf32, #tpu.memory_space<vmem>>) target(%dma_start3A_291 : memref<1280000xf32, #tpu.memory_space<vmem_shared>>) offsets(%arg15 : memref<2000xi32, #tpu.memory_space<vmem>>) semaphore(%arg21 : memref<!tpu.dma_semaphore, #tpu.memory_space<semaphore_mem>>) {add = true}
    %dma_wait3A_292 = arith.constant 0 : i32
    %dma_wait3A_293 = tpu.memref_slice %arg6[%dma_wait3A_292] : memref<1280000xf32, #tpu.memory_space<vmem_shared>> -> memref<1280000xf32, #tpu.memory_space<vmem_shared>>
    tpu.wait_indirect_dma semaphore(%arg21 : memref<!tpu.dma_semaphore, #tpu.memory_space<semaphore_mem>>) src(%arg17 : memref<2000xf32, #tpu.memory_space<vmem>>) dst(%dma_wait3A_293 : memref<1280000xf32, #tpu.memory_space<vmem_shared>>)
    %dma_wait3A_294 = arith.constant 0 : i32
    %dma_wait3A_295 = tpu.memref_slice %arg6[%dma_wait3A_294] : memref<1280000xf32, #tpu.memory_space<vmem_shared>> -> memref<1280000xf32, #tpu.memory_space<vmem_shared>>
    tpu.wait_indirect_dma semaphore(%arg22 : memref<!tpu.dma_semaphore, #tpu.memory_space<semaphore_mem>>) src(%arg17 : memref<2000xf32, #tpu.memory_space<vmem>>) dst(%dma_wait3A_295 : memref<1280000xf32, #tpu.memory_space<vmem_shared>>)
    %slice3A = vector.extract_strided_slice %scan3A_288 {offsets = [0], sizes = [1], strides = [1]} : vector<16xf32> to vector<1xf32>
    %squeeze3A = vector.extract %slice3A[0] : f32 from vector<1xf32>
    %slice3A_296 = vector.extract_strided_slice %scan3A_288 {offsets = [1], sizes = [1], strides = [1]} : vector<16xf32> to vector<1xf32>
    %squeeze3A_297 = vector.extract %slice3A_296[0] : f32 from vector<1xf32>
    %max3A = arith.maximumf %squeeze3A, %squeeze3A_297 : f32
    %slice3A_298 = vector.extract_strided_slice %scan3A_288 {offsets = [2], sizes = [1], strides = [1]} : vector<16xf32> to vector<1xf32>
    %squeeze3A_299 = vector.extract %slice3A_298[0] : f32 from vector<1xf32>
    %max3A_300 = arith.maximumf %max3A, %squeeze3A_299 : f32
    %slice3A_301 = vector.extract_strided_slice %scan3A_288 {offsets = [3], sizes = [1], strides = [1]} : vector<16xf32> to vector<1xf32>
    %squeeze3A_302 = vector.extract %slice3A_301[0] : f32 from vector<1xf32>
    %max3A_303 = arith.maximumf %max3A_300, %squeeze3A_302 : f32
    %slice3A_304 = vector.extract_strided_slice %scan3A_288 {offsets = [4], sizes = [1], strides = [1]} : vector<16xf32> to vector<1xf32>
    %squeeze3A_305 = vector.extract %slice3A_304[0] : f32 from vector<1xf32>
    %max3A_306 = arith.maximumf %max3A_303, %squeeze3A_305 : f32
    %slice3A_307 = vector.extract_strided_slice %scan3A_288 {offsets = [5], sizes = [1], strides = [1]} : vector<16xf32> to vector<1xf32>
    %squeeze3A_308 = vector.extract %slice3A_307[0] : f32 from vector<1xf32>
    %max3A_309 = arith.maximumf %max3A_306, %squeeze3A_308 : f32
    %slice3A_310 = vector.extract_strided_slice %scan3A_288 {offsets = [6], sizes = [1], strides = [1]} : vector<16xf32> to vector<1xf32>
    %squeeze3A_311 = vector.extract %slice3A_310[0] : f32 from vector<1xf32>
    %max3A_312 = arith.maximumf %max3A_309, %squeeze3A_311 : f32
    %slice3A_313 = vector.extract_strided_slice %scan3A_288 {offsets = [7], sizes = [1], strides = [1]} : vector<16xf32> to vector<1xf32>
    %squeeze3A_314 = vector.extract %slice3A_313[0] : f32 from vector<1xf32>
    %max3A_315 = arith.maximumf %max3A_312, %squeeze3A_314 : f32
    %slice3A_316 = vector.extract_strided_slice %scan3A_288 {offsets = [8], sizes = [1], strides = [1]} : vector<16xf32> to vector<1xf32>
    %squeeze3A_317 = vector.extract %slice3A_316[0] : f32 from vector<1xf32>
    %max3A_318 = arith.maximumf %max3A_315, %squeeze3A_317 : f32
    %slice3A_319 = vector.extract_strided_slice %scan3A_288 {offsets = [9], sizes = [1], strides = [1]} : vector<16xf32> to vector<1xf32>
    %squeeze3A_320 = vector.extract %slice3A_319[0] : f32 from vector<1xf32>
    %max3A_321 = arith.maximumf %max3A_318, %squeeze3A_320 : f32
    %slice3A_322 = vector.extract_strided_slice %scan3A_288 {offsets = [10], sizes = [1], strides = [1]} : vector<16xf32> to vector<1xf32>
    %squeeze3A_323 = vector.extract %slice3A_322[0] : f32 from vector<1xf32>
    %max3A_324 = arith.maximumf %max3A_321, %squeeze3A_323 : f32
    %slice3A_325 = vector.extract_strided_slice %scan3A_288 {offsets = [11], sizes = [1], strides = [1]} : vector<16xf32> to vector<1xf32>
    %squeeze3A_326 = vector.extract %slice3A_325[0] : f32 from vector<1xf32>
    %max3A_327 = arith.maximumf %max3A_324, %squeeze3A_326 : f32
    %slice3A_328 = vector.extract_strided_slice %scan3A_288 {offsets = [12], sizes = [1], strides = [1]} : vector<16xf32> to vector<1xf32>
    %squeeze3A_329 = vector.extract %slice3A_328[0] : f32 from vector<1xf32>
    %max3A_330 = arith.maximumf %max3A_327, %squeeze3A_329 : f32
    %slice3A_331 = vector.extract_strided_slice %scan3A_288 {offsets = [13], sizes = [1], strides = [1]} : vector<16xf32> to vector<1xf32>
    %squeeze3A_332 = vector.extract %slice3A_331[0] : f32 from vector<1xf32>
    %max3A_333 = arith.maximumf %max3A_330, %squeeze3A_332 : f32
    %slice3A_334 = vector.extract_strided_slice %scan3A_288 {offsets = [14], sizes = [1], strides = [1]} : vector<16xf32> to vector<1xf32>
    %squeeze3A_335 = vector.extract %slice3A_334[0] : f32 from vector<1xf32>
    %max3A_336 = arith.maximumf %max3A_333, %squeeze3A_335 : f32
    %slice3A_337 = vector.extract_strided_slice %scan3A_288 {offsets = [15], sizes = [1], strides = [1]} : vector<16xf32> to vector<1xf32>
    %squeeze3A_338 = vector.extract %slice3A_337[0] : f32 from vector<1xf32>
    %max3A_339 = arith.maximumf %max3A_336, %squeeze3A_338 : f32
    %ge3A = arith.constant 1.260000e+02 : f32
    %ge3A_340 = arith.cmpf oge, %max3A_339, %ge3A : f32
    %convert_element_type3A_341 = arith.extui %ge3A_340 : i1 to i32
    %cond3A_342 = arith.constant 0 : i32
    %cond3A_343 = arith.cmpi ne, %convert_element_type3A_341, %cond3A_342 : i32
    scf.if %cond3A_343 {
      %add3A_355 = arith.constant 0 : i32
      %add3A_356 = arith.addi %add3A_199, %add3A_355 : i32
      "tpu.region"() ({
        %run_scoped3A = tpu.sem_alloc : memref<!tpu.dma_semaphore, #tpu.memory_space<semaphore_mem>>
        %dma_start3A_420 = tpu.memref_slice %arg2[%add3A_356] : memref<640000xi32, #tpu.memory_space<hbm>> -> memref<2000xi32, #tpu.memory_space<hbm>>
        %dma_start3A_421 = tpu.memref_slice %arg2[%add3A_356] : memref<640000xi32, #tpu.memory_space<hbm>> -> memref<2000xi32, #tpu.memory_space<hbm>>
        tpu.enqueue_dma source(%dma_start3A_421 : memref<2000xi32, #tpu.memory_space<hbm>>) target(%arg7 : memref<2000xi32, #tpu.memory_space<vmem>>) target_semaphore(%run_scoped3A : memref<!tpu.dma_semaphore, #tpu.memory_space<semaphore_mem>>)
        %dma_wait3A_422 = tpu.memref_slice %arg2[%add3A_356] : memref<640000xi32, #tpu.memory_space<hbm>> -> memref<2000xi32, #tpu.memory_space<hbm>>
        %dma_wait3A_423 = tpu.memref_slice %arg2[%add3A_356] : memref<640000xi32, #tpu.memory_space<hbm>> -> memref<2000xi32, #tpu.memory_space<hbm>>
        tpu.wait_dma2 semaphore(%run_scoped3A : memref<!tpu.dma_semaphore, #tpu.memory_space<semaphore_mem>>) src(%dma_wait3A_423 : memref<2000xi32, #tpu.memory_space<hbm>>) dst(%arg7 : memref<2000xi32, #tpu.memory_space<vmem>>)
        tpu.yield
      }) : () -> ()
      %add3A_357 = arith.constant 320000 : i32
      %add3A_358 = arith.addi %add3A_357, %add3A_199 : i32
      %add3A_359 = arith.constant 0 : i32
      %add3A_360 = arith.addi %add3A_358, %add3A_359 : i32
      "tpu.region"() ({
        %run_scoped3A = tpu.sem_alloc : memref<!tpu.dma_semaphore, #tpu.memory_space<semaphore_mem>>
        %dma_start3A_420 = tpu.memref_slice %arg2[%add3A_360] : memref<640000xi32, #tpu.memory_space<hbm>> -> memref<2000xi32, #tpu.memory_space<hbm>>
        %dma_start3A_421 = tpu.memref_slice %arg2[%add3A_360] : memref<640000xi32, #tpu.memory_space<hbm>> -> memref<2000xi32, #tpu.memory_space<hbm>>
        tpu.enqueue_dma source(%dma_start3A_421 : memref<2000xi32, #tpu.memory_space<hbm>>) target(%arg11 : memref<2000xi32, #tpu.memory_space<vmem>>) target_semaphore(%run_scoped3A : memref<!tpu.dma_semaphore, #tpu.memory_space<semaphore_mem>>)
        %dma_wait3A_422 = tpu.memref_slice %arg2[%add3A_360] : memref<640000xi32, #tpu.memory_space<hbm>> -> memref<2000xi32, #tpu.memory_space<hbm>>
        %dma_wait3A_423 = tpu.memref_slice %arg2[%add3A_360] : memref<640000xi32, #tpu.memory_space<hbm>> -> memref<2000xi32, #tpu.memory_space<hbm>>
        tpu.wait_dma2 semaphore(%run_scoped3A : memref<!tpu.dma_semaphore, #tpu.memory_space<semaphore_mem>>) src(%dma_wait3A_423 : memref<2000xi32, #tpu.memory_space<hbm>>) dst(%arg11 : memref<2000xi32, #tpu.memory_space<vmem>>)
        tpu.yield
      }) : () -> ()
      "tpu.region"() ({
        %run_scoped3A = tpu.sem_alloc : memref<!tpu.dma_semaphore, #tpu.memory_space<semaphore_mem>>
        %dma_start3A_420 = arith.constant 0 : i32
        %dma_start3A_421 = tpu.memref_slice %arg5[%dma_start3A_420] : memref<10000xf32, #tpu.memory_space<vmem_shared>> -> memref<10000xf32, #tpu.memory_space<vmem_shared>>
        tpu.enqueue_indirect_dma source(%dma_start3A_421 : memref<10000xf32, #tpu.memory_space<vmem_shared>>) target(%arg13 : memref<2000xf32, #tpu.memory_space<vmem>>) offsets(%arg7 : memref<2000xi32, #tpu.memory_space<vmem>>) semaphore(%run_scoped3A : memref<!tpu.dma_semaphore, #tpu.memory_space<semaphore_mem>>)
        %dma_wait3A_422 = arith.constant 0 : i32
        %dma_wait3A_423 = tpu.memref_slice %arg5[%dma_wait3A_422] : memref<10000xf32, #tpu.memory_space<vmem_shared>> -> memref<10000xf32, #tpu.memory_space<vmem_shared>>
        tpu.wait_indirect_dma semaphore(%run_scoped3A : memref<!tpu.dma_semaphore, #tpu.memory_space<semaphore_mem>>) src(%dma_wait3A_423 : memref<10000xf32, #tpu.memory_space<vmem_shared>>) dst(%arg13 : memref<2000xf32, #tpu.memory_space<vmem>>)
        tpu.yield
      }) : () -> ()
      %scan3A_361 = arith.constant 0 : i32
      %scan3A_362 = arith.constant 0 : i32
      %scan3A_363 = arith.constant 125 : i32
      %scan3A_364 = arith.addi %scan3A_362, %scan3A_363 : i32
      %scan3A_365 = arith.constant 1 : i32
      %scan3A_366 = scf.for %scan3A_420 = %scan3A_362 to %scan3A_364 step %scan3A_365 iter_args(%scan3A_421 = %scan3A_361) -> (i32)  : i32 {
        %mul3A_422 = arith.constant 16 : i32
        %mul3A_423 = arith.muli %scan3A_420, %mul3A_422 : i32
        %get3A = arith.index_cast %mul3A_423 : i32 to index
        %get3A_424 = tpu.vector_load %arg13[%get3A] {strides = array<i32>} : memref<2000xf32, #tpu.memory_space<vmem>>, vector<16xf32>,
        %get3A_425 = vector.shape_cast %get3A_424 : vector<16xf32> to vector<16xf32>
        %convert_element_type3A_426 = arith.fptosi %get3A_425 : vector<16xf32> to vector<16xi32>
        %mul3A_427 = arith.constant 16 : i32
        %mul3A_428 = arith.muli %scan3A_420, %mul3A_427 : i32
        %get3A_429 = arith.index_cast %mul3A_428 : i32 to index
        %get3A_430 = tpu.vector_load %arg11[%get3A_429] {strides = array<i32>} : memref<2000xi32, #tpu.memory_space<vmem>>, vector<16xi32>,
        %get3A_431 = vector.shape_cast %get3A_430 : vector<16xi32> to vector<16xi32>
        %mul3A_432 = arith.constant 128 : i32
        %mul3A_433 = vector.broadcast %mul3A_432 : i32 to vector<16xi32>
        %mul3A_434 = arith.muli %get3A_431, %mul3A_433 : vector<16xi32>
        %add3A_435 = arith.constant 127 : i32
        %add3A_436 = vector.broadcast %add3A_435 : i32 to vector<16xi32>
        %add3A_437 = arith.addi %mul3A_434, %add3A_436 : vector<16xi32>
        %mul3A_438 = arith.constant 16 : i32
        %mul3A_439 = arith.muli %scan3A_420, %mul3A_438 : i32
        %swap3A = arith.index_cast %mul3A_439 : i32 to index
        %swap3A_440 = tpu.vector_load %arg15[%swap3A] {strides = array<i32>} : memref<2000xi32, #tpu.memory_space<vmem>>, vector<16xi32>,
        %swap3A_441 = vector.shape_cast %swap3A_440 : vector<16xi32> to vector<16xi32>
        %swap3A_442 = vector.shape_cast %add3A_437 : vector<16xi32> to vector<16xi32>
        tpu.vector_store %arg15[%swap3A], %swap3A_442 {strides = array<i32>} : memref<2000xi32, #tpu.memory_space<vmem>>, vector<16xi32>,
        %ge3A_443 = arith.constant 126 : i32
        %ge3A_444 = vector.broadcast %ge3A_443 : i32 to vector<16xi32>
        %ge3A_445 = arith.cmpi sge, %convert_element_type3A_426, %ge3A_444 : vector<16xi32>
        %jit3A = arith.constant 0.000000e+00 : f32
        %broadcast_in_dim3A_446 = vector.broadcast %jit3A : f32 to vector<16xf32>
        %select_n3A = arith.select %ge3A_445, %get3A_425, %broadcast_in_dim3A_446 : vector<16xi1>, vector<16xf32>
        %mul3A_447 = arith.constant 16 : i32
        %mul3A_448 = arith.muli %scan3A_420, %mul3A_447 : i32
        %swap3A_449 = arith.index_cast %mul3A_448 : i32 to index
        %swap3A_450 = tpu.vector_load %arg13[%swap3A_449] {strides = array<i32>} : memref<2000xf32, #tpu.memory_space<vmem>>, vector<16xf32>,
        %swap3A_451 = vector.shape_cast %swap3A_450 : vector<16xf32> to vector<16xf32>
        %swap3A_452 = vector.shape_cast %select_n3A : vector<16xf32> to vector<16xf32>
        tpu.vector_store %arg13[%swap3A_449], %swap3A_452 {strides = array<i32>} : memref<2000xf32, #tpu.memory_space<vmem>>, vector<16xf32>,
        %scan3A_453 = arith.constant 0 : i32
        scf.yield %scan3A_453 : i32
      }
      %scan3A_367 = arith.constant 125 : i32
      "tpu.region"() ({
        %run_scoped3A = tpu.sem_alloc : memref<!tpu.dma_semaphore, #tpu.memory_space<semaphore_mem>>
        %dma_start3A_420 = arith.constant 0 : i32
        %dma_start3A_421 = tpu.memref_slice %arg6[%dma_start3A_420] : memref<1280000xf32, #tpu.memory_space<vmem_shared>> -> memref<1280000xf32, #tpu.memory_space<vmem_shared>>
        tpu.enqueue_indirect_dma source(%arg13 : memref<2000xf32, #tpu.memory_space<vmem>>) target(%dma_start3A_421 : memref<1280000xf32, #tpu.memory_space<vmem_shared>>) offsets(%arg15 : memref<2000xi32, #tpu.memory_space<vmem>>) semaphore(%run_scoped3A : memref<!tpu.dma_semaphore, #tpu.memory_space<semaphore_mem>>) {add = true}
        %dma_wait3A_422 = arith.constant 0 : i32
        %dma_wait3A_423 = tpu.memref_slice %arg6[%dma_wait3A_422] : memref<1280000xf32, #tpu.memory_space<vmem_shared>> -> memref<1280000xf32, #tpu.memory_space<vmem_shared>>
        tpu.wait_indirect_dma semaphore(%run_scoped3A : memref<!tpu.dma_semaphore, #tpu.memory_space<semaphore_mem>>) src(%arg13 : memref<2000xf32, #tpu.memory_space<vmem>>) dst(%dma_wait3A_423 : memref<1280000xf32, #tpu.memory_space<vmem_shared>>)
        tpu.yield
      }) : () -> ()
      %add3A_368 = arith.constant 2000 : i32
      %add3A_369 = arith.addi %add3A_199, %add3A_368 : i32
      "tpu.region"() ({
        %run_scoped3A = tpu.sem_alloc : memref<!tpu.dma_semaphore, #tpu.memory_space<semaphore_mem>>
        %dma_start3A_420 = tpu.memref_slice %arg2[%add3A_369] : memref<640000xi32, #tpu.memory_space<hbm>> -> memref<2000xi32, #tpu.memory_space<hbm>>
        %dma_start3A_421 = tpu.memref_slice %arg2[%add3A_369] : memref<640000xi32, #tpu.memory_space<hbm>> -> memref<2000xi32, #tpu.memory_space<hbm>>
        tpu.enqueue_dma source(%dma_start3A_421 : memref<2000xi32, #tpu.memory_space<hbm>>) target(%arg7 : memref<2000xi32, #tpu.memory_space<vmem>>) target_semaphore(%run_scoped3A : memref<!tpu.dma_semaphore, #tpu.memory_space<semaphore_mem>>)
        %dma_wait3A_422 = tpu.memref_slice %arg2[%add3A_369] : memref<640000xi32, #tpu.memory_space<hbm>> -> memref<2000xi32, #tpu.memory_space<hbm>>
        %dma_wait3A_423 = tpu.memref_slice %arg2[%add3A_369] : memref<640000xi32, #tpu.memory_space<hbm>> -> memref<2000xi32, #tpu.memory_space<hbm>>
        tpu.wait_dma2 semaphore(%run_scoped3A : memref<!tpu.dma_semaphore, #tpu.memory_space<semaphore_mem>>) src(%dma_wait3A_423 : memref<2000xi32, #tpu.memory_space<hbm>>) dst(%arg7 : memref<2000xi32, #tpu.memory_space<vmem>>)
        tpu.yield
      }) : () -> ()
      %add3A_370 = arith.constant 320000 : i32
      %add3A_371 = arith.addi %add3A_370, %add3A_199 : i32
      %add3A_372 = arith.constant 2000 : i32
      %add3A_373 = arith.addi %add3A_371, %add3A_372 : i32
      "tpu.region"() ({
        %run_scoped3A = tpu.sem_alloc : memref<!tpu.dma_semaphore, #tpu.memory_space<semaphore_mem>>
        %dma_start3A_420 = tpu.memref_slice %arg2[%add3A_373] : memref<640000xi32, #tpu.memory_space<hbm>> -> memref<2000xi32, #tpu.memory_space<hbm>>
        %dma_start3A_421 = tpu.memref_slice %arg2[%add3A_373] : memref<640000xi32, #tpu.memory_space<hbm>> -> memref<2000xi32, #tpu.memory_space<hbm>>
        tpu.enqueue_dma source(%dma_start3A_421 : memref<2000xi32, #tpu.memory_space<hbm>>) target(%arg11 : memref<2000xi32, #tpu.memory_space<vmem>>) target_semaphore(%run_scoped3A : memref<!tpu.dma_semaphore, #tpu.memory_space<semaphore_mem>>)
        %dma_wait3A_422 = tpu.memref_slice %arg2[%add3A_373] : memref<640000xi32, #tpu.memory_space<hbm>> -> memref<2000xi32, #tpu.memory_space<hbm>>
        %dma_wait3A_423 = tpu.memref_slice %arg2[%add3A_373] : memref<640000xi32, #tpu.memory_space<hbm>> -> memref<2000xi32, #tpu.memory_space<hbm>>
        tpu.wait_dma2 semaphore(%run_scoped3A : memref<!tpu.dma_semaphore, #tpu.memory_space<semaphore_mem>>) src(%dma_wait3A_423 : memref<2000xi32, #tpu.memory_space<hbm>>) dst(%arg11 : memref<2000xi32, #tpu.memory_space<vmem>>)
        tpu.yield
      }) : () -> ()
      "tpu.region"() ({
        %run_scoped3A = tpu.sem_alloc : memref<!tpu.dma_semaphore, #tpu.memory_space<semaphore_mem>>
        %dma_start3A_420 = arith.constant 0 : i32
        %dma_start3A_421 = tpu.memref_slice %arg5[%dma_start3A_420] : memref<10000xf32, #tpu.memory_space<vmem_shared>> -> memref<10000xf32, #tpu.memory_space<vmem_shared>>
        tpu.enqueue_indirect_dma source(%dma_start3A_421 : memref<10000xf32, #tpu.memory_space<vmem_shared>>) target(%arg13 : memref<2000xf32, #tpu.memory_space<vmem>>) offsets(%arg7 : memref<2000xi32, #tpu.memory_space<vmem>>) semaphore(%run_scoped3A : memref<!tpu.dma_semaphore, #tpu.memory_space<semaphore_mem>>)
        %dma_wait3A_422 = arith.constant 0 : i32
        %dma_wait3A_423 = tpu.memref_slice %arg5[%dma_wait3A_422] : memref<10000xf32, #tpu.memory_space<vmem_shared>> -> memref<10000xf32, #tpu.memory_space<vmem_shared>>
        tpu.wait_indirect_dma semaphore(%run_scoped3A : memref<!tpu.dma_semaphore, #tpu.memory_space<semaphore_mem>>) src(%dma_wait3A_423 : memref<10000xf32, #tpu.memory_space<vmem_shared>>) dst(%arg13 : memref<2000xf32, #tpu.memory_space<vmem>>)
        tpu.yield
      }) : () -> ()
      %scan3A_374 = arith.constant 0 : i32
      %scan3A_375 = arith.constant 0 : i32
      %scan3A_376 = arith.constant 125 : i32
      %scan3A_377 = arith.addi %scan3A_375, %scan3A_376 : i32
      %scan3A_378 = arith.constant 1 : i32
      %scan3A_379 = scf.for %scan3A_420 = %scan3A_375 to %scan3A_377 step %scan3A_378 iter_args(%scan3A_421 = %scan3A_374) -> (i32)  : i32 {
        %mul3A_422 = arith.constant 16 : i32
        %mul3A_423 = arith.muli %scan3A_420, %mul3A_422 : i32
        %get3A = arith.index_cast %mul3A_423 : i32 to index
        %get3A_424 = tpu.vector_load %arg13[%get3A] {strides = array<i32>} : memref<2000xf32, #tpu.memory_space<vmem>>, vector<16xf32>,
        %get3A_425 = vector.shape_cast %get3A_424 : vector<16xf32> to vector<16xf32>
        %convert_element_type3A_426 = arith.fptosi %get3A_425 : vector<16xf32> to vector<16xi32>
        %mul3A_427 = arith.constant 16 : i32
        %mul3A_428 = arith.muli %scan3A_420, %mul3A_427 : i32
        %get3A_429 = arith.index_cast %mul3A_428 : i32 to index
        %get3A_430 = tpu.vector_load %arg11[%get3A_429] {strides = array<i32>} : memref<2000xi32, #tpu.memory_space<vmem>>, vector<16xi32>,
        %get3A_431 = vector.shape_cast %get3A_430 : vector<16xi32> to vector<16xi32>
        %mul3A_432 = arith.constant 128 : i32
        %mul3A_433 = vector.broadcast %mul3A_432 : i32 to vector<16xi32>
        %mul3A_434 = arith.muli %get3A_431, %mul3A_433 : vector<16xi32>
        %add3A_435 = arith.constant 127 : i32
        %add3A_436 = vector.broadcast %add3A_435 : i32 to vector<16xi32>
        %add3A_437 = arith.addi %mul3A_434, %add3A_436 : vector<16xi32>
        %mul3A_438 = arith.constant 16 : i32
        %mul3A_439 = arith.muli %scan3A_420, %mul3A_438 : i32
        %swap3A = arith.index_cast %mul3A_439 : i32 to index
        %swap3A_440 = tpu.vector_load %arg15[%swap3A] {strides = array<i32>} : memref<2000xi32, #tpu.memory_space<vmem>>, vector<16xi32>,
        %swap3A_441 = vector.shape_cast %swap3A_440 : vector<16xi32> to vector<16xi32>
        %swap3A_442 = vector.shape_cast %add3A_437 : vector<16xi32> to vector<16xi32>
        tpu.vector_store %arg15[%swap3A], %swap3A_442 {strides = array<i32>} : memref<2000xi32, #tpu.memory_space<vmem>>, vector<16xi32>,
        %ge3A_443 = arith.constant 126 : i32
        %ge3A_444 = vector.broadcast %ge3A_443 : i32 to vector<16xi32>
        %ge3A_445 = arith.cmpi sge, %convert_element_type3A_426, %ge3A_444 : vector<16xi32>
        %jit3A = arith.constant 0.000000e+00 : f32
        %broadcast_in_dim3A_446 = vector.broadcast %jit3A : f32 to vector<16xf32>
        %select_n3A = arith.select %ge3A_445, %get3A_425, %broadcast_in_dim3A_446 : vector<16xi1>, vector<16xf32>
        %mul3A_447 = arith.constant 16 : i32
        %mul3A_448 = arith.muli %scan3A_420, %mul3A_447 : i32
        %swap3A_449 = arith.index_cast %mul3A_448 : i32 to index
        %swap3A_450 = tpu.vector_load %arg13[%swap3A_449] {strides = array<i32>} : memref<2000xf32, #tpu.memory_space<vmem>>, vector<16xf32>,
        %swap3A_451 = vector.shape_cast %swap3A_450 : vector<16xf32> to vector<16xf32>
        %swap3A_452 = vector.shape_cast %select_n3A : vector<16xf32> to vector<16xf32>
        tpu.vector_store %arg13[%swap3A_449], %swap3A_452 {strides = array<i32>} : memref<2000xf32, #tpu.memory_space<vmem>>, vector<16xf32>,
        %scan3A_453 = arith.constant 0 : i32
        scf.yield %scan3A_453 : i32
      }
      %scan3A_380 = arith.constant 125 : i32
      "tpu.region"() ({
        %run_scoped3A = tpu.sem_alloc : memref<!tpu.dma_semaphore, #tpu.memory_space<semaphore_mem>>
        %dma_start3A_420 = arith.constant 0 : i32
        %dma_start3A_421 = tpu.memref_slice %arg6[%dma_start3A_420] : memref<1280000xf32, #tpu.memory_space<vmem_shared>> -> memref<1280000xf32, #tpu.memory_space<vmem_shared>>
        tpu.enqueue_indirect_dma source(%arg13 : memref<2000xf32, #tpu.memory_space<vmem>>) target(%dma_start3A_421 : memref<1280000xf32, #tpu.memory_space<vmem_shared>>) offsets(%arg15 : memref<2000xi32, #tpu.memory_space<vmem>>) semaphore(%run_scoped3A : memref<!tpu.dma_semaphore, #tpu.memory_space<semaphore_mem>>) {add = true}
        %dma_wait3A_422 = arith.constant 0 : i32
        %dma_wait3A_423 = tpu.memref_slice %arg6[%dma_wait3A_422] : memref<1280000xf32, #tpu.memory_space<vmem_shared>> -> memref<1280000xf32, #tpu.memory_space<vmem_shared>>
        tpu.wait_indirect_dma semaphore(%run_scoped3A : memref<!tpu.dma_semaphore, #tpu.memory_space<semaphore_mem>>) src(%arg13 : memref<2000xf32, #tpu.memory_space<vmem>>) dst(%dma_wait3A_423 : memref<1280000xf32, #tpu.memory_space<vmem_shared>>)
        tpu.yield
      }) : () -> ()
      %add3A_381 = arith.constant 4000 : i32
      %add3A_382 = arith.addi %add3A_199, %add3A_381 : i32
      "tpu.region"() ({
        %run_scoped3A = tpu.sem_alloc : memref<!tpu.dma_semaphore, #tpu.memory_space<semaphore_mem>>
        %dma_start3A_420 = tpu.memref_slice %arg2[%add3A_382] : memref<640000xi32, #tpu.memory_space<hbm>> -> memref<2000xi32, #tpu.memory_space<hbm>>
        %dma_start3A_421 = tpu.memref_slice %arg2[%add3A_382] : memref<640000xi32, #tpu.memory_space<hbm>> -> memref<2000xi32, #tpu.memory_space<hbm>>
        tpu.enqueue_dma source(%dma_start3A_421 : memref<2000xi32, #tpu.memory_space<hbm>>) target(%arg7 : memref<2000xi32, #tpu.memory_space<vmem>>) target_semaphore(%run_scoped3A : memref<!tpu.dma_semaphore, #tpu.memory_space<semaphore_mem>>)
        %dma_wait3A_422 = tpu.memref_slice %arg2[%add3A_382] : memref<640000xi32, #tpu.memory_space<hbm>> -> memref<2000xi32, #tpu.memory_space<hbm>>
        %dma_wait3A_423 = tpu.memref_slice %arg2[%add3A_382] : memref<640000xi32, #tpu.memory_space<hbm>> -> memref<2000xi32, #tpu.memory_space<hbm>>
        tpu.wait_dma2 semaphore(%run_scoped3A : memref<!tpu.dma_semaphore, #tpu.memory_space<semaphore_mem>>) src(%dma_wait3A_423 : memref<2000xi32, #tpu.memory_space<hbm>>) dst(%arg7 : memref<2000xi32, #tpu.memory_space<vmem>>)
        tpu.yield
      }) : () -> ()
      %add3A_383 = arith.constant 320000 : i32
      %add3A_384 = arith.addi %add3A_383, %add3A_199 : i32
      %add3A_385 = arith.constant 4000 : i32
      %add3A_386 = arith.addi %add3A_384, %add3A_385 : i32
      "tpu.region"() ({
        %run_scoped3A = tpu.sem_alloc : memref<!tpu.dma_semaphore, #tpu.memory_space<semaphore_mem>>
        %dma_start3A_420 = tpu.memref_slice %arg2[%add3A_386] : memref<640000xi32, #tpu.memory_space<hbm>> -> memref<2000xi32, #tpu.memory_space<hbm>>
        %dma_start3A_421 = tpu.memref_slice %arg2[%add3A_386] : memref<640000xi32, #tpu.memory_space<hbm>> -> memref<2000xi32, #tpu.memory_space<hbm>>
        tpu.enqueue_dma source(%dma_start3A_421 : memref<2000xi32, #tpu.memory_space<hbm>>) target(%arg11 : memref<2000xi32, #tpu.memory_space<vmem>>) target_semaphore(%run_scoped3A : memref<!tpu.dma_semaphore, #tpu.memory_space<semaphore_mem>>)
        %dma_wait3A_422 = tpu.memref_slice %arg2[%add3A_386] : memref<640000xi32, #tpu.memory_space<hbm>> -> memref<2000xi32, #tpu.memory_space<hbm>>
        %dma_wait3A_423 = tpu.memref_slice %arg2[%add3A_386] : memref<640000xi32, #tpu.memory_space<hbm>> -> memref<2000xi32, #tpu.memory_space<hbm>>
        tpu.wait_dma2 semaphore(%run_scoped3A : memref<!tpu.dma_semaphore, #tpu.memory_space<semaphore_mem>>) src(%dma_wait3A_423 : memref<2000xi32, #tpu.memory_space<hbm>>) dst(%arg11 : memref<2000xi32, #tpu.memory_space<vmem>>)
        tpu.yield
      }) : () -> ()
      "tpu.region"() ({
        %run_scoped3A = tpu.sem_alloc : memref<!tpu.dma_semaphore, #tpu.memory_space<semaphore_mem>>
        %dma_start3A_420 = arith.constant 0 : i32
        %dma_start3A_421 = tpu.memref_slice %arg5[%dma_start3A_420] : memref<10000xf32, #tpu.memory_space<vmem_shared>> -> memref<10000xf32, #tpu.memory_space<vmem_shared>>
        tpu.enqueue_indirect_dma source(%dma_start3A_421 : memref<10000xf32, #tpu.memory_space<vmem_shared>>) target(%arg13 : memref<2000xf32, #tpu.memory_space<vmem>>) offsets(%arg7 : memref<2000xi32, #tpu.memory_space<vmem>>) semaphore(%run_scoped3A : memref<!tpu.dma_semaphore, #tpu.memory_space<semaphore_mem>>)
        %dma_wait3A_422 = arith.constant 0 : i32
        %dma_wait3A_423 = tpu.memref_slice %arg5[%dma_wait3A_422] : memref<10000xf32, #tpu.memory_space<vmem_shared>> -> memref<10000xf32, #tpu.memory_space<vmem_shared>>
        tpu.wait_indirect_dma semaphore(%run_scoped3A : memref<!tpu.dma_semaphore, #tpu.memory_space<semaphore_mem>>) src(%dma_wait3A_423 : memref<10000xf32, #tpu.memory_space<vmem_shared>>) dst(%arg13 : memref<2000xf32, #tpu.memory_space<vmem>>)
        tpu.yield
      }) : () -> ()
      %scan3A_387 = arith.constant 0 : i32
      %scan3A_388 = arith.constant 0 : i32
      %scan3A_389 = arith.constant 125 : i32
      %scan3A_390 = arith.addi %scan3A_388, %scan3A_389 : i32
      %scan3A_391 = arith.constant 1 : i32
      %scan3A_392 = scf.for %scan3A_420 = %scan3A_388 to %scan3A_390 step %scan3A_391 iter_args(%scan3A_421 = %scan3A_387) -> (i32)  : i32 {
        %mul3A_422 = arith.constant 16 : i32
        %mul3A_423 = arith.muli %scan3A_420, %mul3A_422 : i32
        %get3A = arith.index_cast %mul3A_423 : i32 to index
        %get3A_424 = tpu.vector_load %arg13[%get3A] {strides = array<i32>} : memref<2000xf32, #tpu.memory_space<vmem>>, vector<16xf32>,
        %get3A_425 = vector.shape_cast %get3A_424 : vector<16xf32> to vector<16xf32>
        %convert_element_type3A_426 = arith.fptosi %get3A_425 : vector<16xf32> to vector<16xi32>
        %mul3A_427 = arith.constant 16 : i32
        %mul3A_428 = arith.muli %scan3A_420, %mul3A_427 : i32
        %get3A_429 = arith.index_cast %mul3A_428 : i32 to index
        %get3A_430 = tpu.vector_load %arg11[%get3A_429] {strides = array<i32>} : memref<2000xi32, #tpu.memory_space<vmem>>, vector<16xi32>,
        %get3A_431 = vector.shape_cast %get3A_430 : vector<16xi32> to vector<16xi32>
        %mul3A_432 = arith.constant 128 : i32
        %mul3A_433 = vector.broadcast %mul3A_432 : i32 to vector<16xi32>
        %mul3A_434 = arith.muli %get3A_431, %mul3A_433 : vector<16xi32>
        %add3A_435 = arith.constant 127 : i32
        %add3A_436 = vector.broadcast %add3A_435 : i32 to vector<16xi32>
        %add3A_437 = arith.addi %mul3A_434, %add3A_436 : vector<16xi32>
        %mul3A_438 = arith.constant 16 : i32
        %mul3A_439 = arith.muli %scan3A_420, %mul3A_438 : i32
        %swap3A = arith.index_cast %mul3A_439 : i32 to index
        %swap3A_440 = tpu.vector_load %arg15[%swap3A] {strides = array<i32>} : memref<2000xi32, #tpu.memory_space<vmem>>, vector<16xi32>,
        %swap3A_441 = vector.shape_cast %swap3A_440 : vector<16xi32> to vector<16xi32>
        %swap3A_442 = vector.shape_cast %add3A_437 : vector<16xi32> to vector<16xi32>
        tpu.vector_store %arg15[%swap3A], %swap3A_442 {strides = array<i32>} : memref<2000xi32, #tpu.memory_space<vmem>>, vector<16xi32>,
        %ge3A_443 = arith.constant 126 : i32
        %ge3A_444 = vector.broadcast %ge3A_443 : i32 to vector<16xi32>
        %ge3A_445 = arith.cmpi sge, %convert_element_type3A_426, %ge3A_444 : vector<16xi32>
        %jit3A = arith.constant 0.000000e+00 : f32
        %broadcast_in_dim3A_446 = vector.broadcast %jit3A : f32 to vector<16xf32>
        %select_n3A = arith.select %ge3A_445, %get3A_425, %broadcast_in_dim3A_446 : vector<16xi1>, vector<16xf32>
        %mul3A_447 = arith.constant 16 : i32
        %mul3A_448 = arith.muli %scan3A_420, %mul3A_447 : i32
        %swap3A_449 = arith.index_cast %mul3A_448 : i32 to index
        %swap3A_450 = tpu.vector_load %arg13[%swap3A_449] {strides = array<i32>} : memref<2000xf32, #tpu.memory_space<vmem>>, vector<16xf32>,
        %swap3A_451 = vector.shape_cast %swap3A_450 : vector<16xf32> to vector<16xf32>
        %swap3A_452 = vector.shape_cast %select_n3A : vector<16xf32> to vector<16xf32>
        tpu.vector_store %arg13[%swap3A_449], %swap3A_452 {strides = array<i32>} : memref<2000xf32, #tpu.memory_space<vmem>>, vector<16xf32>,
        %scan3A_453 = arith.constant 0 : i32
        scf.yield %scan3A_453 : i32
      }
      %scan3A_393 = arith.constant 125 : i32
      "tpu.region"() ({
        %run_scoped3A = tpu.sem_alloc : memref<!tpu.dma_semaphore, #tpu.memory_space<semaphore_mem>>
        %dma_start3A_420 = arith.constant 0 : i32
        %dma_start3A_421 = tpu.memref_slice %arg6[%dma_start3A_420] : memref<1280000xf32, #tpu.memory_space<vmem_shared>> -> memref<1280000xf32, #tpu.memory_space<vmem_shared>>
        tpu.enqueue_indirect_dma source(%arg13 : memref<2000xf32, #tpu.memory_space<vmem>>) target(%dma_start3A_421 : memref<1280000xf32, #tpu.memory_space<vmem_shared>>) offsets(%arg15 : memref<2000xi32, #tpu.memory_space<vmem>>) semaphore(%run_scoped3A : memref<!tpu.dma_semaphore, #tpu.memory_space<semaphore_mem>>) {add = true}
        %dma_wait3A_422 = arith.constant 0 : i32
        %dma_wait3A_423 = tpu.memref_slice %arg6[%dma_wait3A_422] : memref<1280000xf32, #tpu.memory_space<vmem_shared>> -> memref<1280000xf32, #tpu.memory_space<vmem_shared>>
        tpu.wait_indirect_dma semaphore(%run_scoped3A : memref<!tpu.dma_semaphore, #tpu.memory_space<semaphore_mem>>) src(%arg13 : memref<2000xf32, #tpu.memory_space<vmem>>) dst(%dma_wait3A_423 : memref<1280000xf32, #tpu.memory_space<vmem_shared>>)
        tpu.yield
      }) : () -> ()
      %add3A_394 = arith.constant 6000 : i32
      %add3A_395 = arith.addi %add3A_199, %add3A_394 : i32
      "tpu.region"() ({
        %run_scoped3A = tpu.sem_alloc : memref<!tpu.dma_semaphore, #tpu.memory_space<semaphore_mem>>
        %dma_start3A_420 = tpu.memref_slice %arg2[%add3A_395] : memref<640000xi32, #tpu.memory_space<hbm>> -> memref<2000xi32, #tpu.memory_space<hbm>>
        %dma_start3A_421 = tpu.memref_slice %arg2[%add3A_395] : memref<640000xi32, #tpu.memory_space<hbm>> -> memref<2000xi32, #tpu.memory_space<hbm>>
        tpu.enqueue_dma source(%dma_start3A_421 : memref<2000xi32, #tpu.memory_space<hbm>>) target(%arg7 : memref<2000xi32, #tpu.memory_space<vmem>>) target_semaphore(%run_scoped3A : memref<!tpu.dma_semaphore, #tpu.memory_space<semaphore_mem>>)
        %dma_wait3A_422 = tpu.memref_slice %arg2[%add3A_395] : memref<640000xi32, #tpu.memory_space<hbm>> -> memref<2000xi32, #tpu.memory_space<hbm>>
        %dma_wait3A_423 = tpu.memref_slice %arg2[%add3A_395] : memref<640000xi32, #tpu.memory_space<hbm>> -> memref<2000xi32, #tpu.memory_space<hbm>>
        tpu.wait_dma2 semaphore(%run_scoped3A : memref<!tpu.dma_semaphore, #tpu.memory_space<semaphore_mem>>) src(%dma_wait3A_423 : memref<2000xi32, #tpu.memory_space<hbm>>) dst(%arg7 : memref<2000xi32, #tpu.memory_space<vmem>>)
        tpu.yield
      }) : () -> ()
      %add3A_396 = arith.constant 320000 : i32
      %add3A_397 = arith.addi %add3A_396, %add3A_199 : i32
      %add3A_398 = arith.constant 6000 : i32
      %add3A_399 = arith.addi %add3A_397, %add3A_398 : i32
      "tpu.region"() ({
        %run_scoped3A = tpu.sem_alloc : memref<!tpu.dma_semaphore, #tpu.memory_space<semaphore_mem>>
        %dma_start3A_420 = tpu.memref_slice %arg2[%add3A_399] : memref<640000xi32, #tpu.memory_space<hbm>> -> memref<2000xi32, #tpu.memory_space<hbm>>
        %dma_start3A_421 = tpu.memref_slice %arg2[%add3A_399] : memref<640000xi32, #tpu.memory_space<hbm>> -> memref<2000xi32, #tpu.memory_space<hbm>>
        tpu.enqueue_dma source(%dma_start3A_421 : memref<2000xi32, #tpu.memory_space<hbm>>) target(%arg11 : memref<2000xi32, #tpu.memory_space<vmem>>) target_semaphore(%run_scoped3A : memref<!tpu.dma_semaphore, #tpu.memory_space<semaphore_mem>>)
        %dma_wait3A_422 = tpu.memref_slice %arg2[%add3A_399] : memref<640000xi32, #tpu.memory_space<hbm>> -> memref<2000xi32, #tpu.memory_space<hbm>>
        %dma_wait3A_423 = tpu.memref_slice %arg2[%add3A_399] : memref<640000xi32, #tpu.memory_space<hbm>> -> memref<2000xi32, #tpu.memory_space<hbm>>
        tpu.wait_dma2 semaphore(%run_scoped3A : memref<!tpu.dma_semaphore, #tpu.memory_space<semaphore_mem>>) src(%dma_wait3A_423 : memref<2000xi32, #tpu.memory_space<hbm>>) dst(%arg11 : memref<2000xi32, #tpu.memory_space<vmem>>)
        tpu.yield
      }) : () -> ()
      "tpu.region"() ({
        %run_scoped3A = tpu.sem_alloc : memref<!tpu.dma_semaphore, #tpu.memory_space<semaphore_mem>>
        %dma_start3A_420 = arith.constant 0 : i32
        %dma_start3A_421 = tpu.memref_slice %arg5[%dma_start3A_420] : memref<10000xf32, #tpu.memory_space<vmem_shared>> -> memref<10000xf32, #tpu.memory_space<vmem_shared>>
        tpu.enqueue_indirect_dma source(%dma_start3A_421 : memref<10000xf32, #tpu.memory_space<vmem_shared>>) target(%arg13 : memref<2000xf32, #tpu.memory_space<vmem>>) offsets(%arg7 : memref<2000xi32, #tpu.memory_space<vmem>>) semaphore(%run_scoped3A : memref<!tpu.dma_semaphore, #tpu.memory_space<semaphore_mem>>)
        %dma_wait3A_422 = arith.constant 0 : i32
        %dma_wait3A_423 = tpu.memref_slice %arg5[%dma_wait3A_422] : memref<10000xf32, #tpu.memory_space<vmem_shared>> -> memref<10000xf32, #tpu.memory_space<vmem_shared>>
        tpu.wait_indirect_dma semaphore(%run_scoped3A : memref<!tpu.dma_semaphore, #tpu.memory_space<semaphore_mem>>) src(%dma_wait3A_423 : memref<10000xf32, #tpu.memory_space<vmem_shared>>) dst(%arg13 : memref<2000xf32, #tpu.memory_space<vmem>>)
        tpu.yield
      }) : () -> ()
      %scan3A_400 = arith.constant 0 : i32
      %scan3A_401 = arith.constant 0 : i32
      %scan3A_402 = arith.constant 125 : i32
      %scan3A_403 = arith.addi %scan3A_401, %scan3A_402 : i32
      %scan3A_404 = arith.constant 1 : i32
      %scan3A_405 = scf.for %scan3A_420 = %scan3A_401 to %scan3A_403 step %scan3A_404 iter_args(%scan3A_421 = %scan3A_400) -> (i32)  : i32 {
        %mul3A_422 = arith.constant 16 : i32
        %mul3A_423 = arith.muli %scan3A_420, %mul3A_422 : i32
        %get3A = arith.index_cast %mul3A_423 : i32 to index
        %get3A_424 = tpu.vector_load %arg13[%get3A] {strides = array<i32>} : memref<2000xf32, #tpu.memory_space<vmem>>, vector<16xf32>,
        %get3A_425 = vector.shape_cast %get3A_424 : vector<16xf32> to vector<16xf32>
        %convert_element_type3A_426 = arith.fptosi %get3A_425 : vector<16xf32> to vector<16xi32>
        %mul3A_427 = arith.constant 16 : i32
        %mul3A_428 = arith.muli %scan3A_420, %mul3A_427 : i32
        %get3A_429 = arith.index_cast %mul3A_428 : i32 to index
        %get3A_430 = tpu.vector_load %arg11[%get3A_429] {strides = array<i32>} : memref<2000xi32, #tpu.memory_space<vmem>>, vector<16xi32>,
        %get3A_431 = vector.shape_cast %get3A_430 : vector<16xi32> to vector<16xi32>
        %mul3A_432 = arith.constant 128 : i32
        %mul3A_433 = vector.broadcast %mul3A_432 : i32 to vector<16xi32>
        %mul3A_434 = arith.muli %get3A_431, %mul3A_433 : vector<16xi32>
        %add3A_435 = arith.constant 127 : i32
        %add3A_436 = vector.broadcast %add3A_435 : i32 to vector<16xi32>
        %add3A_437 = arith.addi %mul3A_434, %add3A_436 : vector<16xi32>
        %mul3A_438 = arith.constant 16 : i32
        %mul3A_439 = arith.muli %scan3A_420, %mul3A_438 : i32
        %swap3A = arith.index_cast %mul3A_439 : i32 to index
        %swap3A_440 = tpu.vector_load %arg15[%swap3A] {strides = array<i32>} : memref<2000xi32, #tpu.memory_space<vmem>>, vector<16xi32>,
        %swap3A_441 = vector.shape_cast %swap3A_440 : vector<16xi32> to vector<16xi32>
        %swap3A_442 = vector.shape_cast %add3A_437 : vector<16xi32> to vector<16xi32>
        tpu.vector_store %arg15[%swap3A], %swap3A_442 {strides = array<i32>} : memref<2000xi32, #tpu.memory_space<vmem>>, vector<16xi32>,
        %ge3A_443 = arith.constant 126 : i32
        %ge3A_444 = vector.broadcast %ge3A_443 : i32 to vector<16xi32>
        %ge3A_445 = arith.cmpi sge, %convert_element_type3A_426, %ge3A_444 : vector<16xi32>
        %jit3A = arith.constant 0.000000e+00 : f32
        %broadcast_in_dim3A_446 = vector.broadcast %jit3A : f32 to vector<16xf32>
        %select_n3A = arith.select %ge3A_445, %get3A_425, %broadcast_in_dim3A_446 : vector<16xi1>, vector<16xf32>
        %mul3A_447 = arith.constant 16 : i32
        %mul3A_448 = arith.muli %scan3A_420, %mul3A_447 : i32
        %swap3A_449 = arith.index_cast %mul3A_448 : i32 to index
        %swap3A_450 = tpu.vector_load %arg13[%swap3A_449] {strides = array<i32>} : memref<2000xf32, #tpu.memory_space<vmem>>, vector<16xf32>,
        %swap3A_451 = vector.shape_cast %swap3A_450 : vector<16xf32> to vector<16xf32>
        %swap3A_452 = vector.shape_cast %select_n3A : vector<16xf32> to vector<16xf32>
        tpu.vector_store %arg13[%swap3A_449], %swap3A_452 {strides = array<i32>} : memref<2000xf32, #tpu.memory_space<vmem>>, vector<16xf32>,
        %scan3A_453 = arith.constant 0 : i32
        scf.yield %scan3A_453 : i32
      }
      %scan3A_406 = arith.constant 125 : i32
      "tpu.region"() ({
        %run_scoped3A = tpu.sem_alloc : memref<!tpu.dma_semaphore, #tpu.memory_space<semaphore_mem>>
        %dma_start3A_420 = arith.constant 0 : i32
        %dma_start3A_421 = tpu.memref_slice %arg6[%dma_start3A_420] : memref<1280000xf32, #tpu.memory_space<vmem_shared>> -> memref<1280000xf32, #tpu.memory_space<vmem_shared>>
        tpu.enqueue_indirect_dma source(%arg13 : memref<2000xf32, #tpu.memory_space<vmem>>) target(%dma_start3A_421 : memref<1280000xf32, #tpu.memory_space<vmem_shared>>) offsets(%arg15 : memref<2000xi32, #tpu.memory_space<vmem>>) semaphore(%run_scoped3A : memref<!tpu.dma_semaphore, #tpu.memory_space<semaphore_mem>>) {add = true}
        %dma_wait3A_422 = arith.constant 0 : i32
        %dma_wait3A_423 = tpu.memref_slice %arg6[%dma_wait3A_422] : memref<1280000xf32, #tpu.memory_space<vmem_shared>> -> memref<1280000xf32, #tpu.memory_space<vmem_shared>>
        tpu.wait_indirect_dma semaphore(%run_scoped3A : memref<!tpu.dma_semaphore, #tpu.memory_space<semaphore_mem>>) src(%arg13 : memref<2000xf32, #tpu.memory_space<vmem>>) dst(%dma_wait3A_423 : memref<1280000xf32, #tpu.memory_space<vmem_shared>>)
        tpu.yield
      }) : () -> ()
      %add3A_407 = arith.constant 8000 : i32
      %add3A_408 = arith.addi %add3A_199, %add3A_407 : i32
      "tpu.region"() ({
        %run_scoped3A = tpu.sem_alloc : memref<!tpu.dma_semaphore, #tpu.memory_space<semaphore_mem>>
        %dma_start3A_420 = tpu.memref_slice %arg2[%add3A_408] : memref<640000xi32, #tpu.memory_space<hbm>> -> memref<2000xi32, #tpu.memory_space<hbm>>
        %dma_start3A_421 = tpu.memref_slice %arg2[%add3A_408] : memref<640000xi32, #tpu.memory_space<hbm>> -> memref<2000xi32, #tpu.memory_space<hbm>>
        tpu.enqueue_dma source(%dma_start3A_421 : memref<2000xi32, #tpu.memory_space<hbm>>) target(%arg7 : memref<2000xi32, #tpu.memory_space<vmem>>) target_semaphore(%run_scoped3A : memref<!tpu.dma_semaphore, #tpu.memory_space<semaphore_mem>>)
        %dma_wait3A_422 = tpu.memref_slice %arg2[%add3A_408] : memref<640000xi32, #tpu.memory_space<hbm>> -> memref<2000xi32, #tpu.memory_space<hbm>>
        %dma_wait3A_423 = tpu.memref_slice %arg2[%add3A_408] : memref<640000xi32, #tpu.memory_space<hbm>> -> memref<2000xi32, #tpu.memory_space<hbm>>
        tpu.wait_dma2 semaphore(%run_scoped3A : memref<!tpu.dma_semaphore, #tpu.memory_space<semaphore_mem>>) src(%dma_wait3A_423 : memref<2000xi32, #tpu.memory_space<hbm>>) dst(%arg7 : memref<2000xi32, #tpu.memory_space<vmem>>)
        tpu.yield
      }) : () -> ()
      %add3A_409 = arith.constant 320000 : i32
      %add3A_410 = arith.addi %add3A_409, %add3A_199 : i32
      %add3A_411 = arith.constant 8000 : i32
      %add3A_412 = arith.addi %add3A_410, %add3A_411 : i32
      "tpu.region"() ({
        %run_scoped3A = tpu.sem_alloc : memref<!tpu.dma_semaphore, #tpu.memory_space<semaphore_mem>>
        %dma_start3A_420 = tpu.memref_slice %arg2[%add3A_412] : memref<640000xi32, #tpu.memory_space<hbm>> -> memref<2000xi32, #tpu.memory_space<hbm>>
        %dma_start3A_421 = tpu.memref_slice %arg2[%add3A_412] : memref<640000xi32, #tpu.memory_space<hbm>> -> memref<2000xi32, #tpu.memory_space<hbm>>
        tpu.enqueue_dma source(%dma_start3A_421 : memref<2000xi32, #tpu.memory_space<hbm>>) target(%arg11 : memref<2000xi32, #tpu.memory_space<vmem>>) target_semaphore(%run_scoped3A : memref<!tpu.dma_semaphore, #tpu.memory_space<semaphore_mem>>)
        %dma_wait3A_422 = tpu.memref_slice %arg2[%add3A_412] : memref<640000xi32, #tpu.memory_space<hbm>> -> memref<2000xi32, #tpu.memory_space<hbm>>
        %dma_wait3A_423 = tpu.memref_slice %arg2[%add3A_412] : memref<640000xi32, #tpu.memory_space<hbm>> -> memref<2000xi32, #tpu.memory_space<hbm>>
        tpu.wait_dma2 semaphore(%run_scoped3A : memref<!tpu.dma_semaphore, #tpu.memory_space<semaphore_mem>>) src(%dma_wait3A_423 : memref<2000xi32, #tpu.memory_space<hbm>>) dst(%arg11 : memref<2000xi32, #tpu.memory_space<vmem>>)
        tpu.yield
      }) : () -> ()
      "tpu.region"() ({
        %run_scoped3A = tpu.sem_alloc : memref<!tpu.dma_semaphore, #tpu.memory_space<semaphore_mem>>
        %dma_start3A_420 = arith.constant 0 : i32
        %dma_start3A_421 = tpu.memref_slice %arg5[%dma_start3A_420] : memref<10000xf32, #tpu.memory_space<vmem_shared>> -> memref<10000xf32, #tpu.memory_space<vmem_shared>>
        tpu.enqueue_indirect_dma source(%dma_start3A_421 : memref<10000xf32, #tpu.memory_space<vmem_shared>>) target(%arg13 : memref<2000xf32, #tpu.memory_space<vmem>>) offsets(%arg7 : memref<2000xi32, #tpu.memory_space<vmem>>) semaphore(%run_scoped3A : memref<!tpu.dma_semaphore, #tpu.memory_space<semaphore_mem>>)
        %dma_wait3A_422 = arith.constant 0 : i32
        %dma_wait3A_423 = tpu.memref_slice %arg5[%dma_wait3A_422] : memref<10000xf32, #tpu.memory_space<vmem_shared>> -> memref<10000xf32, #tpu.memory_space<vmem_shared>>
        tpu.wait_indirect_dma semaphore(%run_scoped3A : memref<!tpu.dma_semaphore, #tpu.memory_space<semaphore_mem>>) src(%dma_wait3A_423 : memref<10000xf32, #tpu.memory_space<vmem_shared>>) dst(%arg13 : memref<2000xf32, #tpu.memory_space<vmem>>)
        tpu.yield
      }) : () -> ()
      %scan3A_413 = arith.constant 0 : i32
      %scan3A_414 = arith.constant 0 : i32
      %scan3A_415 = arith.constant 125 : i32
      %scan3A_416 = arith.addi %scan3A_414, %scan3A_415 : i32
      %scan3A_417 = arith.constant 1 : i32
      %scan3A_418 = scf.for %scan3A_420 = %scan3A_414 to %scan3A_416 step %scan3A_417 iter_args(%scan3A_421 = %scan3A_413) -> (i32)  : i32 {
        %mul3A_422 = arith.constant 16 : i32
        %mul3A_423 = arith.muli %scan3A_420, %mul3A_422 : i32
        %get3A = arith.index_cast %mul3A_423 : i32 to index
        %get3A_424 = tpu.vector_load %arg13[%get3A] {strides = array<i32>} : memref<2000xf32, #tpu.memory_space<vmem>>, vector<16xf32>,
        %get3A_425 = vector.shape_cast %get3A_424 : vector<16xf32> to vector<16xf32>
        %convert_element_type3A_426 = arith.fptosi %get3A_425 : vector<16xf32> to vector<16xi32>
        %mul3A_427 = arith.constant 16 : i32
        %mul3A_428 = arith.muli %scan3A_420, %mul3A_427 : i32
        %get3A_429 = arith.index_cast %mul3A_428 : i32 to index
        %get3A_430 = tpu.vector_load %arg11[%get3A_429] {strides = array<i32>} : memref<2000xi32, #tpu.memory_space<vmem>>, vector<16xi32>,
        %get3A_431 = vector.shape_cast %get3A_430 : vector<16xi32> to vector<16xi32>
        %mul3A_432 = arith.constant 128 : i32
        %mul3A_433 = vector.broadcast %mul3A_432 : i32 to vector<16xi32>
        %mul3A_434 = arith.muli %get3A_431, %mul3A_433 : vector<16xi32>
        %add3A_435 = arith.constant 127 : i32
        %add3A_436 = vector.broadcast %add3A_435 : i32 to vector<16xi32>
        %add3A_437 = arith.addi %mul3A_434, %add3A_436 : vector<16xi32>
        %mul3A_438 = arith.constant 16 : i32
        %mul3A_439 = arith.muli %scan3A_420, %mul3A_438 : i32
        %swap3A = arith.index_cast %mul3A_439 : i32 to index
        %swap3A_440 = tpu.vector_load %arg15[%swap3A] {strides = array<i32>} : memref<2000xi32, #tpu.memory_space<vmem>>, vector<16xi32>,
        %swap3A_441 = vector.shape_cast %swap3A_440 : vector<16xi32> to vector<16xi32>
        %swap3A_442 = vector.shape_cast %add3A_437 : vector<16xi32> to vector<16xi32>
        tpu.vector_store %arg15[%swap3A], %swap3A_442 {strides = array<i32>} : memref<2000xi32, #tpu.memory_space<vmem>>, vector<16xi32>,
        %ge3A_443 = arith.constant 126 : i32
        %ge3A_444 = vector.broadcast %ge3A_443 : i32 to vector<16xi32>
        %ge3A_445 = arith.cmpi sge, %convert_element_type3A_426, %ge3A_444 : vector<16xi32>
        %jit3A = arith.constant 0.000000e+00 : f32
        %broadcast_in_dim3A_446 = vector.broadcast %jit3A : f32 to vector<16xf32>
        %select_n3A = arith.select %ge3A_445, %get3A_425, %broadcast_in_dim3A_446 : vector<16xi1>, vector<16xf32>
        %mul3A_447 = arith.constant 16 : i32
        %mul3A_448 = arith.muli %scan3A_420, %mul3A_447 : i32
        %swap3A_449 = arith.index_cast %mul3A_448 : i32 to index
        %swap3A_450 = tpu.vector_load %arg13[%swap3A_449] {strides = array<i32>} : memref<2000xf32, #tpu.memory_space<vmem>>, vector<16xf32>,
        %swap3A_451 = vector.shape_cast %swap3A_450 : vector<16xf32> to vector<16xf32>
        %swap3A_452 = vector.shape_cast %select_n3A : vector<16xf32> to vector<16xf32>
        tpu.vector_store %arg13[%swap3A_449], %swap3A_452 {strides = array<i32>} : memref<2000xf32, #tpu.memory_space<vmem>>, vector<16xf32>,
        %scan3A_453 = arith.constant 0 : i32
        scf.yield %scan3A_453 : i32
      }
      %scan3A_419 = arith.constant 125 : i32
      "tpu.region"() ({
        %run_scoped3A = tpu.sem_alloc : memref<!tpu.dma_semaphore, #tpu.memory_space<semaphore_mem>>
        %dma_start3A_420 = arith.constant 0 : i32
        %dma_start3A_421 = tpu.memref_slice %arg6[%dma_start3A_420] : memref<1280000xf32, #tpu.memory_space<vmem_shared>> -> memref<1280000xf32, #tpu.memory_space<vmem_shared>>
        tpu.enqueue_indirect_dma source(%arg13 : memref<2000xf32, #tpu.memory_space<vmem>>) target(%dma_start3A_421 : memref<1280000xf32, #tpu.memory_space<vmem_shared>>) offsets(%arg15 : memref<2000xi32, #tpu.memory_space<vmem>>) semaphore(%run_scoped3A : memref<!tpu.dma_semaphore, #tpu.memory_space<semaphore_mem>>) {add = true}
        %dma_wait3A_422 = arith.constant 0 : i32
        %dma_wait3A_423 = tpu.memref_slice %arg6[%dma_wait3A_422] : memref<1280000xf32, #tpu.memory_space<vmem_shared>> -> memref<1280000xf32, #tpu.memory_space<vmem_shared>>
        tpu.wait_indirect_dma semaphore(%run_scoped3A : memref<!tpu.dma_semaphore, #tpu.memory_space<semaphore_mem>>) src(%arg13 : memref<2000xf32, #tpu.memory_space<vmem>>) dst(%dma_wait3A_423 : memref<1280000xf32, #tpu.memory_space<vmem_shared>>)
        tpu.yield
      }) : () -> ()
    } else {
    }
    %barrier3A_344 = arith.constant 0 : index
    tpu.barrier barrier_id(%barrier3A_344)
    %eq3A_345 = arith.constant 0 : i32
    %eq3A_346 = arith.cmpi eq, %arg0, %eq3A_345 : i32
    %convert_element_type3A_347 = arith.extui %eq3A_346 : i1 to i32
    %cond3A_348 = arith.constant 0 : i32
    %cond3A_349 = arith.cmpi ne, %convert_element_type3A_347, %cond3A_348 : i32
    scf.if %cond3A_349 {
      %mul3A_355 = arith.constant 80000 : i32
      %mul3A_356 = arith.muli %arg1, %mul3A_355 : i32
      %mul3A_357 = arith.constant 80000 : i32
      %mul3A_358 = arith.muli %arg1, %mul3A_357 : i32
      "tpu.region"() ({
        %run_scoped3A = tpu.sem_alloc : memref<!tpu.dma_semaphore, #tpu.memory_space<semaphore_mem>>
        %dma_start3A_359 = tpu.memref_slice %arg3[%mul3A_358] : memref<1280000xf32, #tpu.memory_space<hbm>> -> memref<80000xf32, #tpu.memory_space<hbm>>
        %dma_start3A_360 = tpu.memref_slice %arg6[%mul3A_356] : memref<1280000xf32, #tpu.memory_space<vmem_shared>> -> memref<80000xf32, #tpu.memory_space<vmem_shared>>
        tpu.enqueue_dma source(%dma_start3A_360 : memref<80000xf32, #tpu.memory_space<vmem_shared>>) target(%dma_start3A_359 : memref<80000xf32, #tpu.memory_space<hbm>>) target_semaphore(%run_scoped3A : memref<!tpu.dma_semaphore, #tpu.memory_space<semaphore_mem>>)
        %dma_wait3A_361 = tpu.memref_slice %arg3[%mul3A_358] : memref<1280000xf32, #tpu.memory_space<hbm>> -> memref<80000xf32, #tpu.memory_space<hbm>>
        %dma_wait3A_362 = tpu.memref_slice %arg6[%mul3A_356] : memref<1280000xf32, #tpu.memory_space<vmem_shared>> -> memref<80000xf32, #tpu.memory_space<vmem_shared>>
        tpu.wait_dma2 semaphore(%run_scoped3A : memref<!tpu.dma_semaphore, #tpu.memory_space<semaphore_mem>>) src(%dma_wait3A_362 : memref<80000xf32, #tpu.memory_space<vmem_shared>>) dst(%dma_wait3A_361 : memref<80000xf32, #tpu.memory_space<hbm>>)
        tpu.yield
      }) : () -> ()
    } else {
    }
    %eq3A_350 = arith.constant 1 : i32
    %eq3A_351 = arith.cmpi eq, %arg0, %eq3A_350 : i32
    %convert_element_type3A_352 = arith.extui %eq3A_351 : i1 to i32
    %cond3A_353 = arith.constant 0 : i32
    %cond3A_354 = arith.cmpi ne, %convert_element_type3A_352, %cond3A_353 : i32
    scf.if %cond3A_354 {
      %mul3A_355 = arith.constant 80000 : i32
      %mul3A_356 = arith.muli %arg1, %mul3A_355 : i32
      %mul3A_357 = arith.constant 80000 : i32
      %mul3A_358 = arith.muli %arg1, %mul3A_357 : i32
      "tpu.region"() ({
        %run_scoped3A = tpu.sem_alloc : memref<!tpu.dma_semaphore, #tpu.memory_space<semaphore_mem>>
        %dma_start3A_359 = tpu.memref_slice %arg4[%mul3A_358] : memref<1280000xf32, #tpu.memory_space<hbm>> -> memref<80000xf32, #tpu.memory_space<hbm>>
        %dma_start3A_360 = tpu.memref_slice %arg6[%mul3A_356] : memref<1280000xf32, #tpu.memory_space<vmem_shared>> -> memref<80000xf32, #tpu.memory_space<vmem_shared>>
        tpu.enqueue_dma source(%dma_start3A_360 : memref<80000xf32, #tpu.memory_space<vmem_shared>>) target(%dma_start3A_359 : memref<80000xf32, #tpu.memory_space<hbm>>) target_semaphore(%run_scoped3A : memref<!tpu.dma_semaphore, #tpu.memory_space<semaphore_mem>>)
        %dma_wait3A_361 = tpu.memref_slice %arg4[%mul3A_358] : memref<1280000xf32, #tpu.memory_space<hbm>> -> memref<80000xf32, #tpu.memory_space<hbm>>
        %dma_wait3A_362 = tpu.memref_slice %arg6[%mul3A_356] : memref<1280000xf32, #tpu.memory_space<vmem_shared>> -> memref<80000xf32, #tpu.memory_space<vmem_shared>>
        tpu.wait_dma2 semaphore(%run_scoped3A : memref<!tpu.dma_semaphore, #tpu.memory_space<semaphore_mem>>) src(%dma_wait3A_362 : memref<80000xf32, #tpu.memory_space<vmem_shared>>) dst(%dma_wait3A_361 : memref<80000xf32, #tpu.memory_space<hbm>>)
        tpu.yield
      }) : () -> ()
    } else {
    }
    return
  }
}

module attributes {stable_mosaic.version = 14 : i64} {
  func.func @_tc_body(%arg0: memref<10000x128xf32, #tpu.memory_space<vmem>>, %arg1: memref<10000x128xf32, #tpu.memory_space<vmem>>, %arg2: memref<1x10000xi32, #tpu.memory_space<vmem>>, %arg3: memref<128x128xf32, #tpu.memory_space<vmem>>, %arg4: memref<1x128xf32, #tpu.memory_space<vmem>>, %arg5: memref<128x128xf32, #tpu.memory_space<vmem>>, %arg6: memref<1x128xf32, #tpu.memory_space<vmem>>, %arg7: memref<128x1xf32, #tpu.memory_space<vmem>>, %arg8: memref<1x1xf32, #tpu.memory_space<vmem>>, %arg9: memref<64x1xf32, #tpu.memory_space<vmem>>) attributes {dimension_semantics = [], scalar_prefetch = 0 : i64, scratch_operands = 0 : i64, tpu.core_type = #tpu.core_type<tc>} {
    %get3A = arith.constant 0 : index
    %get3A_0 = arith.constant 0 : index
    %get3A_1 = vector.load %arg0[%get3A, %get3A_0] : memref<10000x128xf32, #tpu.memory_space<vmem>>, vector<10000x128xf32>
    %get3A_2 = arith.constant 0 : index
    %get3A_3 = arith.constant 0 : index
    %get3A_4 = vector.load %arg1[%get3A_2, %get3A_3] : memref<10000x128xf32, #tpu.memory_space<vmem>>, vector<10000x128xf32>
    %add3A = arith.addf %get3A_1, %get3A_4 : vector<10000x128xf32>
    %get3A_5 = arith.constant 0 : index
    %get3A_6 = arith.constant 0 : index
    %get3A_7 = vector.load %arg3[%get3A_5, %get3A_6] : memref<128x128xf32, #tpu.memory_space<vmem>>, vector<128x128xf32>
    %reduce_sum3A = arith.constant dense<0.000000e+00> : vector<128xf32>
    %reduce_sum3A_8 = vector.multi_reduction <add>, %get3A_7, %reduce_sum3A [0] : vector<128x128xf32> to vector<128xf32>
    %broadcast_in_dim3A = vector.shape_cast %reduce_sum3A_8 : vector<128xf32> to vector<1x128xf32>
    %get3A_9 = arith.constant 0 : index
    %get3A_10 = arith.constant 0 : index
    %get3A_11 = vector.load %arg4[%get3A_9, %get3A_10] : memref<1x128xf32, #tpu.memory_space<vmem>>, vector<1x128xf32>
    %gt3A = arith.constant 0.000000e+00 : f32
    %gt3A_12 = vector.broadcast %gt3A : f32 to vector<1x128xf32>
    %gt3A_13 = arith.cmpf ogt, %broadcast_in_dim3A, %gt3A_12 : vector<1x128xf32>
    %jit3A = arith.constant 0.000000e+00 : f32
    %broadcast_in_dim3A_14 = vector.broadcast %jit3A : f32 to vector<1x128xf32>
    %select_n3A = arith.select %gt3A_13, %broadcast_in_dim3A, %broadcast_in_dim3A_14 : vector<1x128xi1>, vector<1x128xf32>
    %gt3A_15 = arith.constant 0.000000e+00 : f32
    %gt3A_16 = vector.broadcast %gt3A_15 : f32 to vector<1x128xf32>
    %gt3A_17 = arith.cmpf ogt, %broadcast_in_dim3A, %gt3A_16 : vector<1x128xf32>
    %eq3A = arith.constant 0.000000e+00 : f32
    %eq3A_18 = vector.broadcast %eq3A : f32 to vector<1x128xf32>
    %eq3A_19 = arith.cmpf oeq, %broadcast_in_dim3A, %eq3A_18 : vector<1x128xf32>
    %max3A = arith.constant 0.000000e+00 : f32
    %max3A_20 = vector.broadcast %max3A : f32 to vector<1x128xf32>
    %max3A_21 = arith.maximumf %get3A_11, %max3A_20 : vector<1x128xf32>
    %jit3A_22 = arith.constant 0.000000e+00 : f32
    %broadcast_in_dim3A_23 = vector.broadcast %jit3A_22 : f32 to vector<1x128xf32>
    %select_n3A_24 = arith.select %eq3A_19, %max3A_21, %broadcast_in_dim3A_23 : vector<1x128xi1>, vector<1x128xf32>
    %select_n3A_25 = arith.select %gt3A_17, %get3A_11, %select_n3A_24 : vector<1x128xi1>, vector<1x128xf32>
    %iota3A = tpu.iota {dimensions = array<i32: 0>} : vector<128x128xi32>
    %convert_element_type3A = arith.sitofp %iota3A : vector<128x128xi32> to vector<128x128xf32>
    %mul3A = vector.broadcast %broadcast_in_dim3A : vector<1x128xf32> to vector<128x128xf32>
    %mul3A_26 = arith.mulf %convert_element_type3A, %mul3A : vector<128x128xf32>
    %add3A_27 = vector.broadcast %get3A_11 : vector<1x128xf32> to vector<128x128xf32>
    %add3A_28 = arith.addf %mul3A_26, %add3A_27 : vector<128x128xf32>
    %max3A_29 = arith.constant 0.000000e+00 : f32
    %max3A_30 = vector.broadcast %max3A_29 : f32 to vector<128x128xf32>
    %max3A_31 = arith.maximumf %add3A_28, %max3A_30 : vector<128x128xf32>
    %eq3A_32 = arith.constant 126 : i32
    %eq3A_33 = vector.broadcast %eq3A_32 : i32 to vector<128x128xi32>
    %eq3A_34 = arith.cmpi eq, %iota3A, %eq3A_33 : vector<128x128xi32>
    %eq3A_35 = arith.constant 127 : i32
    %eq3A_36 = vector.broadcast %eq3A_35 : i32 to vector<128x128xi32>
    %eq3A_37 = arith.cmpi eq, %iota3A, %eq3A_36 : vector<128x128xi32>
    %broadcast_in_dim3A_38 = vector.shape_cast %select_n3A : vector<1x128xf32> to vector<1x128xf32>
    %broadcast_in_dim3A_39 = vector.broadcast %broadcast_in_dim3A_38 : vector<1x128xf32> to vector<128x128xf32>
    %select_n3A_40 = arith.select %eq3A_37, %broadcast_in_dim3A_39, %max3A_31 : vector<128x128xi1>, vector<128x128xf32>
    %broadcast_in_dim3A_41 = vector.shape_cast %select_n3A_25 : vector<1x128xf32> to vector<1x128xf32>
    %broadcast_in_dim3A_42 = vector.broadcast %broadcast_in_dim3A_41 : vector<1x128xf32> to vector<128x128xf32>
    %select_n3A_43 = arith.select %eq3A_34, %broadcast_in_dim3A_42, %select_n3A_40 : vector<128x128xi1>, vector<128x128xf32>
    %get3A_44 = arith.constant 0 : index
    %get3A_45 = arith.constant 0 : index
    %get3A_46 = vector.load %arg5[%get3A_44, %get3A_45] : memref<128x128xf32, #tpu.memory_space<vmem>>, vector<128x128xf32>
    %dot_general3A = arith.constant dense<0.000000e+00> : vector<128x128xf32>
    %dot_general3A_47 = tpu.matmul %select_n3A_43, %get3A_46, %dot_general3A {dimension_numbers = #tpu.dot_dimension_numbers<[1], [0], [0], [1], [0, 0, 1, 1], [], []>, transpose_lhs_hint = false} : vector<128x128xf32>, vector<128x128xf32>, vector<128x128xf32> -> vector<128x128xf32>
    %dot_general3A_48 = arith.constant dense<0.000000e+00> : vector<10000x128xf32>
    %dot_general3A_49 = tpu.matmul %add3A, %dot_general3A_47, %dot_general3A_48 {dimension_numbers = #tpu.dot_dimension_numbers<[1], [0], [0], [1], [0, 0, 1, 1], [], []>, transpose_lhs_hint = false} : vector<10000x128xf32>, vector<128x128xf32>, vector<10000x128xf32> -> vector<10000x128xf32>
    %get3A_50 = arith.constant 0 : index
    %get3A_51 = arith.constant 0 : index
    %get3A_52 = vector.load %arg6[%get3A_50, %get3A_51] : memref<1x128xf32, #tpu.memory_space<vmem>>, vector<1x128xf32>
    %add3A_53 = vector.broadcast %get3A_52 : vector<1x128xf32> to vector<10000x128xf32>
    %add3A_54 = arith.addf %dot_general3A_49, %add3A_53 : vector<10000x128xf32>
    %max3A_55 = arith.constant 0.000000e+00 : f32
    %max3A_56 = vector.broadcast %max3A_55 : f32 to vector<10000x128xf32>
    %max3A_57 = arith.maximumf %add3A_54, %max3A_56 : vector<10000x128xf32>
    %get3A_58 = arith.constant 0 : index
    %get3A_59 = arith.constant 0 : index
    %get3A_60 = vector.load %arg7[%get3A_58, %get3A_59] : memref<128x1xf32, #tpu.memory_space<vmem>>, vector<128x1xf32>
    %dot_general3A_61 = arith.constant dense<0.000000e+00> : vector<10000x1xf32>
    %dot_general3A_62 = tpu.matmul %max3A_57, %get3A_60, %dot_general3A_61 {dimension_numbers = #tpu.dot_dimension_numbers<[1], [0], [0], [1], [0, 0, 1, 1], [], []>, transpose_lhs_hint = false} : vector<10000x128xf32>, vector<128x1xf32>, vector<10000x1xf32> -> vector<10000x1xf32>
    %get3A_63 = arith.constant 0 : index
    %get3A_64 = arith.constant 0 : index
    %get3A_65 = vector.load %arg2[%get3A_63, %get3A_64] : memref<1x10000xi32, #tpu.memory_space<vmem>>, vector<1x10000xi32>
    %iota3A_66 = tpu.iota {dimensions = array<i32: 0>} : vector<64x10000xi32>
    %eq3A_67 = vector.broadcast %get3A_65 : vector<1x10000xi32> to vector<64x10000xi32>
    %eq3A_68 = arith.cmpi eq, %iota3A_66, %eq3A_67 : vector<64x10000xi32>
    %convert_element_type3A_69 = arith.extui %eq3A_68 : vector<64x10000xi1> to vector<64x10000xi32>
    %convert_element_type3A_70 = arith.sitofp %convert_element_type3A_69 : vector<64x10000xi32> to vector<64x10000xf32>
    %reduce_sum3A_71 = arith.constant dense<0.000000e+00> : vector<64xf32>
    %reduce_sum3A_72 = vector.multi_reduction <add>, %convert_element_type3A_70, %reduce_sum3A_71 [1] : vector<64x10000xf32> to vector<64xf32>
    %broadcast_in_dim3A_73 = vector.shape_cast %reduce_sum3A_72 : vector<64xf32> to vector<64x1xf32>
    %dot_general3A_74 = arith.constant dense<0.000000e+00> : vector<64x1xf32>
    %dot_general3A_75 = tpu.matmul %convert_element_type3A_70, %dot_general3A_62, %dot_general3A_74 {dimension_numbers = #tpu.dot_dimension_numbers<[1], [0], [0], [1], [0, 0, 1, 1], [], []>, transpose_lhs_hint = false} : vector<64x10000xf32>, vector<10000x1xf32>, vector<64x1xf32> -> vector<64x1xf32>
    %max3A_76 = arith.constant 1.000000e+00 : f32
    %max3A_77 = vector.broadcast %max3A_76 : f32 to vector<64x1xf32>
    %max3A_78 = arith.maximumf %broadcast_in_dim3A_73, %max3A_77 : vector<64x1xf32>
    %div3A = arith.divf %dot_general3A_75, %max3A_78 : vector<64x1xf32>
    %get3A_79 = arith.constant 0 : index
    %get3A_80 = arith.constant 0 : index
    %get3A_81 = vector.load %arg8[%get3A_79, %get3A_80] : memref<1x1xf32, #tpu.memory_space<vmem>>, vector<1x1xf32>
    %add3A_82 = vector.broadcast %get3A_81 : vector<1x1xf32> to vector<64x1xf32>
    %add3A_83 = arith.addf %div3A, %add3A_82 : vector<64x1xf32>
    %neg3A = arith.constant 0.000000e+00 : f32
    %neg3A_84 = vector.broadcast %neg3A : f32 to vector<64x1xf32>
    %neg3A_85 = arith.subf %neg3A_84, %add3A_83 : vector<64x1xf32>
    %exp3A = math.exp %neg3A_85 : vector<64x1xf32>
    %add3A_86 = arith.constant 1.000000e+00 : f32
    %add3A_87 = vector.broadcast %add3A_86 : f32 to vector<64x1xf32>
    %add3A_88 = arith.addf %add3A_87, %exp3A : vector<64x1xf32>
    %div3A_89 = arith.constant 1.000000e+00 : f32
    %div3A_90 = vector.broadcast %div3A_89 : f32 to vector<64x1xf32>
    %div3A_91 = arith.divf %div3A_90, %add3A_88 : vector<64x1xf32>
    %swap3A = arith.constant 0 : index
    %swap3A_92 = arith.constant 0 : index
    %swap3A_93 = vector.load %arg9[%swap3A, %swap3A_92] : memref<64x1xf32, #tpu.memory_space<vmem>>, vector<64x1xf32>
    tpu.vector_store %arg9[%swap3A, %swap3A_92], %div3A_91 {strides = array<i32>} : memref<64x1xf32, #tpu.memory_space<vmem>>, vector<64x1xf32>,
    return
  }
}

</mosaic_0001>

<sc_bundles>
// kernel: kernel.4.cloned.1.call-start
scs
__scs_entry_jumppad:
0x0: {  	(pc) =	sbr.rel $0x88, $3  }
0x1: {  	(tag) =	ssettag $0x0;
	lr =	simm.s32 $0x1  }
0x2: {  	[smem:$0x3F99] =	sst lr;
	_ =	strace $0xD0000000  }
0x3: {  	_ = 	snop  }
0x4: {  	_ = 	snop  }
0x5: {  	_ = 	snop  }
0x6: {  	_ = 	snop  }
0x7: {  	_ = 	snop  }
__scs_overlays_trampoline_lowered:
0x8: {  	[smem:$0x3FA8] =	sst s0  }
0x9: {  	[smem:$0x3FA9] =	sst s1  }
0xa: {  	[smem:$0x3FAA] =	sst s2  }
0xb: {  	[smem:$0x3FAB] =	sst s3  }
0xc: {  	[smem:$0x3FAC] =	sst s4  }
0xd: {  	[smem:$0x3FAD] =	sst s5  }
0xe: {  	[smem:$0x3FAE] =	sst s6  }
0xf: {  	[smem:$0x3FAF] =	sst s7  }
0x10: {  	[smem:$0x3FB0] =	sst s8  }
0x11: {  	[smem:$0x3FB1] =	sst s9;
	s0 =	simm.s32 @!p0 $0x0  }
0x12: {  	s1 =	sld [smem:$0x3F97];
	s0 =	simm.s32 @p0 $0x1  }
0x13: {  	[smem:$0x3FB2] =	sst s0;
	s0 =	simm.s32 @!p1 $0x0  }
0x14: {  	s2 =	sld [smem:$0x3F96];
	s0 =	simm.s32 @p1 $0x1  }
0x15: {  	[smem:$0x3FB3] =	sst s0;
	s0 =	simm.s32 @!p2 $0x0  }
0x16: {  	s3 =	sld [smem:$0x3FDB];
	s0 =	simm.s32 @p2 $0x1  }
0x17: {  	s4 =	simm.s32 $0x1BF5;
	[smem:$0x3FB5] =	sst s0  }
0x18: {  	s0 =	sld [smem:$0x3F98];
	_ =	swait.ge [sflag:s4], $0x0  }
0x19: {  	s7 =	sld [smem:$0x3F99]  }
0x1a: {  	s8 =	sadd.s32 $0xFFFFE003, lr  }
0x1b: {  	s9 =	sadd.s32 $0xFFFFFEF7, lr;
	s5 =	simm.s32 $0xFFFFFFFF;
	p2 =	slt.u32 s8, $0xFFFFF086  }
0x1c: {  	p1 =	slt.u32 s9, $0xF7A;
	s5 =	simm.s32 @!p2 $0x0  }
0x1d: {  	s5 =	simm.s32 @p1 $0x1;
	p0 =	seq.s32 s7, s2  }
0x1e: {  	s7 =	smul.u32 @!p0 $0xF7A, s2;
	p2 =	seq.s32 @!p0 s5, $0x0  }
0x1f: {  	s9 =	smul.u32 $0xF7A, s1;
	s8 =	simm.s32 @!p0 $0x1BF5;
	p2 =	por !p2, p0  }
0x20: {  	[sflag:s8] =	ssyncset.s32 @!p0 $0xFFFFF086;
	s6 =	sadd.s32 @!p0 s3, s7;
	s7 =	simm.s32 @!p0 $0x108  }
0x21: {  	s3 =	sadd.s32 s3, s9;
	s6 =	sadd.s32 @!p0 $0x88, s6;
	s7 =	simm.s32 @p2 $0x1082  }
0x22: {  	[simem:s7], [sflag:s8] =	dma.local @!p0 [hbm:s6], $0xF7A  }
0x23: {  	s9 =	sor.u32 $0xD0000000, s2;
	s6 =	simm.s32 $0x108;
	_ =	swait.ge @!p0 [sflag:s8], $0x0  }
0x24: {  	s3 =	sadd.s32 $0x88, s3;
	s6 =	simm.s32 @!p1 $0x1082;
	[sflag:s4] =	ssyncset.s32 $0xFFFFF086  }
0x25: {  	[simem:s6], [sflag:s4] =	dma.local [hbm:s3], $0xF7A  }
0x26: {  	[smem:$0x3F99] =	sst s1;
	(tag) =	ssettag s2;
	_ =	strace s9  }
0x27: {  	s1 =	sld [smem:$0x3FA9]  }
0x28: {  	s2 =	sld [smem:$0x3FAA]  }
0x29: {  	s4 =	sld [smem:$0x3FAC]  }
0x2a: {  	p0 =	seq.s32 s5, $0x0;
	s5 =	sld [smem:$0x3FAD]  }
0x2b: {  	s6 =	sld [smem:$0x3FAE]  }
0x2c: {  	s7 =	sld [smem:$0x3FAF]  }
0x2d: {  	s3 =	simm.s32 $0x108;
	s8 =	sld [smem:$0x3FB0]  }
0x2e: {  	s3 =	simm.s32 @!p0 $0x1082;
	s9 =	sld [smem:$0x3FB1]  }
0x2f: {  	lr =	sadd.s32 s0, s3;
	s0 =	sld [smem:$0x3FA8]  }
0x30: {  	s3 =	sld [smem:$0x3FAB]  }
0x31: {  	[smem:$0x3FB4] =	sst s10  }
0x32: {  	s10 =	sld [smem:$0x3FB2];
	_ =	sdelay $0x3  }
0x33: {  	p0 =	seq.s32 s10, $0x1;
	s10 =	sld [smem:$0x3FB4];
	_ =	sdelay $0x3  }
0x34: {  	[smem:$0x3FB4] =	sst s10  }
0x35: {  	s10 =	sld [smem:$0x3FB3];
	_ =	sdelay $0x3  }
0x36: {  	p1 =	seq.s32 s10, $0x1;
	s10 =	sld [smem:$0x3FB4];
	_ =	sdelay $0x3  }
0x37: {  	[smem:$0x3FB4] =	sst s10  }
0x38: {  	s10 =	sld [smem:$0x3FB5]  }
0x39: {  	_ = 	snop;
	(pc) =	sbr.ind lr, $3  }
0x3a: {  	_ = 	snop  }
0x3b: {  	_ = 	snop  }
0x3c: {  	p2 =	seq.s32 s10, $0x1;
	s10 =	sld [smem:$0x3FB4]  }
0x3d: {  	_ =	shalt  }
0x3e: {  	_ =	shalt  }
0x3f: {  	_ =	shalt  }
0x40: {  	_ =	shalt  }
0x41: {  	_ =	shalt  }
0x42: {  	_ =	shalt  }
0x43: {  	_ =	shalt  }
0x44: {  	_ =	shalt  }
0x45: {  	_ =	shalt  }
0x46: {  	_ =	shalt  }
0x47: {  	_ =	shalt  }
0x48: {  	_ =	shalt  }
0x49: {  	_ =	shalt  }
0x4a: {  	_ =	shalt  }
0x4b: {  	_ =	shalt  }
0x4c: {  	_ =	shalt  }
0x4d: {  	_ =	shalt  }
0x4e: {  	_ =	shalt  }
0x4f: {  	_ =	shalt  }
0x50: {  	_ =	shalt  }
0x51: {  	_ =	shalt  }
0x52: {  	_ =	shalt  }
0x53: {  	_ =	shalt  }
0x54: {  	_ =	shalt  }
0x55: {  	_ =	shalt  }
0x56: {  	_ =	shalt  }
0x57: {  	_ =	shalt  }
0x58: {  	_ =	shalt  }
0x59: {  	_ =	shalt  }
0x5a: {  	_ =	shalt  }
0x5b: {  	_ =	shalt  }
0x5c: {  	_ =	shalt  }
0x5d: {  	_ =	shalt  }
0x5e: {  	_ =	shalt  }
0x5f: {  	_ =	shalt  }
0x60: {  	_ =	shalt  }
0x61: {  	_ =	shalt  }
0x62: {  	_ =	shalt  }
0x63: {  	_ =	shalt  }
0x64: {  	_ =	shalt  }
0x65: {  	_ =	shalt  }
0x66: {  	_ =	shalt  }
0x67: {  	_ =	shalt  }
0x68: {  	_ =	shalt  }
0x69: {  	_ =	shalt  }
0x6a: {  	_ =	shalt  }
0x6b: {  	_ =	shalt  }
0x6c: {  	_ =	shalt  }
0x6d: {  	_ =	shalt  }
0x6e: {  	_ =	shalt  }
0x6f: {  	_ =	shalt  }
0x70: {  	_ =	shalt  }
0x71: {  	_ =	shalt  }
0x72: {  	_ =	shalt  }
0x73: {  	_ =	shalt  }
0x74: {  	_ =	shalt  }
0x75: {  	_ =	shalt  }
0x76: {  	_ =	shalt  }
0x77: {  	_ =	shalt  }
0x78: {  	_ =	shalt  }
0x79: {  	_ =	shalt  }
0x7a: {  	_ =	shalt  }
0x7b: {  	_ =	shalt  }
0x7c: {  	_ =	shalt  }
0x7d: {  	_ =	shalt  }
0x7e: {  	_ =	shalt  }
0x7f: {  	_ =	shalt  }
0x80: {  	_ =	shalt  }
0x81: {  	_ =	shalt  }
0x82: {  	_ =	shalt  }
0x83: {  	_ =	shalt  }
0x84: {  	_ =	shalt  }
0x85: {  	_ =	shalt  }
0x86: {  	_ =	shalt  }
0x87: {  	_ =	shalt  }
.Lfunc_end0:
.L_simem_size_0:
called_computation_lowered:
.L_overlay_start_0:
0x88: {  	s2 =	sld [smem:$0x3FD9]  }
0x89: {  	s3 =	sld [smem:$0x3FFE];
	_ =	sdelay $0x1  }
0x8a: {  	s1 =	srdreg.scid  }
0x8b: {  	s0 =	sand.u32 $0x1, s1  }
0x8c: {  	s16 =	sshll.u32 s0, $0xA;
	s2 =	sadd.s32 s3, s2  }
0x8d: {  	s2 =	sadd.s32 s2, s16  }
0x8e: {  	[smem:$0x3FC0] =	sst s2  }
0x8f: {  	_ = 	snop  }
0x90: {  	(tm) =	ssettm $0x1  }
0x91: {  	s17 =	sld [smem:$0x3FFB];
	_ =	sdelay $0x3  }
0x92: {  	_ =	strace s17  }
0x93: {  	s2 =	sld [smem:$0x3FFC];
	_ =	sdelay $0x3  }
0x94: {  	_ =	strace s2  }
0x95: {  	s2 =	sld [smem:$0x3FFD];
	_ =	sdelay $0x3  }
0x96: {  	_ =	strace s2  }
0x97: {  	_ =	strace $0x8FFFFFFF  }
0x98: {  	s18 =	sld [smem:$0x3FDB];
	_ =	sdelay $0x1  }
0x99: {  	s19 =	simm.s32 $_scs_section_size  }
0x9a: {  	s4 =	simm.s32 $_size__tile_overlayer_lowered;
	s5 =	simm.s32 $_tile_overlayer_lowered  }
0x9b: {  	s22 =	simm.s32 $0x1BFF;
	s21 =	sshll.u32 s5, $0x1;
	s2 =	sadd.s32 s19, s18  }
0x9c: {  	s6 =	simm.s32 $0x0;
	s20 =	sshll.u32 s4, $0x1;
	s4 =	sadd.s32 s21, s2  }
0x9d: {  	[timem:s6], [sflag:s22] =	dma.local [hbm:s4], s20  }
0x9e: {  	_ =	swait.ge [sflag:s22], s20  }
0x9f: {  	s3 =	ssub.s32 $0x0, s20;
	[sflag:s22] =	ssyncset.done $0x0  }
0xa0: {  	[sflag:s22] =	ssyncadd.s32 s3;
	_ =	sdelay $0x1  }
0xa1: {  	s23 =	simm.s32 $0x1B8B  }
0xa2: {  	_ =	swait.ge [sflag:s23], $0x1  }
0xa3: {  	[sflag:s23] =	ssyncset.done $0x0  }
0xa4: {  	s25 =	simm.s32 $0x1B8E;
	s24 =	sld [smem:$0x3FFE];
	[sflag:s23] =	ssyncadd.s32 $0xFFFFFFFF  }
0xa5: {  	s26 =	simm.s32 $execute0_lowered;
	[smem:$0x3FD2] =	sst s25  }
0xa6: {  	s4 =	sshll.u32 s26, $0x1;
	_ =	strace $0x80000046;
	[dreg:$0x1] =	wrdreg $0xFFFFFFFF  }
0xa7: {  	s28 =	simm.s32 $_size_execute0_lowered;
	s2 =	sadd.s32 s2, s4;
	[dreg:$0x0] =	wrdreg $0x0  }
0xa8: {  	s4 =	sshll.u32 s28, $0x1;
	[dreg:$0x2] =	wrdreg s2  }
0xa9: {  	[dreg:$0x3] =	wrdreg s4  }
0xaa: {  	[dreg:$0x4] =	wrdreg $0xC0  }
0xab: {  	_ =	task [dreg:s6], $0x5FFFF  }
0xac: {  	[dreg:$0x1] =	wrdreg $0xFFFFFFFF  }
0xad: {  	[dreg:$0x0] =	wrdreg $0x60  }
0xae: {  	[dreg:$0x2] =	wrdreg s24  }
0xaf: {  	[dreg:$0x3] =	wrdreg $0x2780  }
0xb0: {  	[dreg:$0x4] =	wrdreg $0x0  }
0xb1: {  	[dreg:$0x5] =	wrdreg $0x9  }
0xb2: {  	_ =	task.clear_ibuf [dreg:s6], $0x6FFFF;
	_ =	strace $0x90000046  }
0xb3: {  	s29 =	simm.s32 $0x9;
	_ =	strace $0x80000048  }
0xb4: {  	_ =	swait.ge [sflag:s29], $0x1  }
0xb5: {  	[sflag:s29] =	ssyncadd.s32 $0xFFFFFFFF  }
0xb6: {  	_ =	strace $0x90000048  }
0xb7: {  	_ =	sfence  }
0xb8: {  	s30 =	sld [smem:$0x0];
	_ =	sdelay $0x2  }
0xb9: {  	s31 =	sshll.u32 s1, $0xD;
	s1 =	sshrl.u32 s1, $0x2  }
0xba: {  	s3 =	sand.u32 $0x4000, s31;
	s1 =	sadd.s32 s1, s30  }
0xbb: {  	s0 =	sor.u32 s3, s0;
	s1 =	sshll.u32 s1, $0x11  }
0xbc: {  	s0 =	sor.u32 s1, s0  }
0xbd: {  	s0 =	sadd.s32 $0x8F2B, s0  }
0xbe: {  	[sflag:s0] =	ssyncadd.remote.s32 $0x1  }
0xbf: {  	_ =	sfence.sel $0xFFFF  }
0xc0: {  	[dreg:$0x0] =	wrdreg $0xFFFFFFFF;
	(pc) =	sbr.abs _section_cstart, $3  }
0xc1: {  	[dreg:$0x1] =	wrdreg $0xFFFFFFFF  }
0xc2: {  	_ =	task.clear_ibuf [dreg:s6], $0x2FFFF;
	_ =	strace $0x9FFFFFFF  }
0xc3: {  	(tm) =	ssettm $0x7FFFFFFF  }
tec
execute0_lowered:
.L_overlay_start_1:
0x0: {  	(tag) =	ssettag $0x1  }
0x1: {  	s0 =	rddreg [dreg:$0x0]  }
0x2: {  	s1 =	rddreg [dreg:$0x1];
	s12 =	stileid.u32  }
0x3: {  	s2 =	rddreg [dreg:$0x2];
	s6 =	smul.u32 $0x13880, s12  }
0x4: {  	s3 =	simm.s32 $0x0;
	s4 =	srdreg.scid;
	s28 =	simm.s32 $0x16AF8  }
0x5: {  	[smem:$0x7FF] =	sst s3;
	s4 =	sand.u32 $0x1, s4;
	s5 =	sadd.s32 s6, s1  }
0x6: {  	s9 =	smul.u32 $0x4E20, s12;
	s10 =	sadd.s32 $0x1800, s0;
	s16 =	sadd.s32 $0x1F40, s5  }
0x7: {  	_ =	strace $0x80000047;
	s17 =	sadd.s32 $0x3E80, s5;
	[dreg:$0x4] =	wrdreg s16  }
0x8: {  	s7 =	ssub.s32 $0x2, s4;
	s18 =	sadd.s32 $0x5DC0, s5;
	[dreg:$0x5] =	wrdreg s17  }
0x9: {  	s8 =	sshrl.u32 s7, $0x1;
	s20 =	sadd.s32 $0x7D00, s5;
	[dreg:$0x6] =	wrdreg s18  }
0xa: {  	s19 =	sshrl.u32 s9, $0x3;
	s21 =	sadd.s32 $0x9C40, s5;
	[dreg:$0x7] =	wrdreg s20  }
0xb: {  	s7 =	ssub.s32 s7, s8;
	s22 =	sadd.s32 $0xBB80, s5;
	[dreg:$0x8] =	wrdreg s21  }
0xc: {  	s8 =	sadd.s32 s10, s19;
	s23 =	sadd.s32 $0xDAC0, s5;
	[dreg:$0x9] =	wrdreg s22  }
0xd: {  	s29 =	simm.s32 $0x17AF8;
	[dreg:$0xa] =	wrdreg s23;
	s24 =	sadd.s32 $0x9C40, s8  }
0xe: {  	s11 =	smul.u32 $0x2710, s12;
	s25 =	sadd.s32 $0x9D3A, s8;
	[dreg:$0xb] =	wrdreg s24  }
0xf: {  	s30 =	smul.u32 $0x27100, s4;
	s26 =	sadd.s32 $0x9E34, s8;
	[dreg:$0xc] =	wrdreg s25  }
0x10: {  	p0 =	seq.s32 s4, $0x1;
	s13 =	sadd.s32 $0x9F2E, s8;
	[dreg:$0xd] =	wrdreg s26  }
0x11: {  	s4 =	simm.s32 $0x3C400;
	s31 =	sadd.s32 $0xA028, s8;
	[dreg:$0xe] =	wrdreg s13  }
0x12: {  	s4 =	simm.s32 @!p0 $0x15200;
	s14 =	sadd.s32 $0xA122, s8;
	[dreg:$0xf] =	wrdreg s31  }
0x13: {  	s6 =	sshrl.u32 s6, $0x3;
	s15 =	sadd.s32 $0xA21C, s8;
	[dreg:$0x10] =	wrdreg s14  }
0x14: {  	s0 =	sadd.s32 s4, s0;
	s17 =	sadd.s32 $0xA316, s8;
	[dreg:$0x11] =	wrdreg s15  }
0x15: {  	p0 =	sne.s32 s12, $0x0;
	s0 =	sadd.s32 s0, s6;
	[dreg:$0x12] =	wrdreg s17  }
0x16: {  	s12 =	simm.s32 $0x1;
	s18 =	sadd.s32 $0xA410, s8;
	[dreg:$0x13] =	wrdreg s0  }
0x17: {  	s9 =	sadd.s32 s11, s30;
	s19 =	sadd.s32 $0xA50A, s8;
	[dreg:$0x14] =	wrdreg s18  }
0x18: {  	s11 =	simm.s32 $0x192F8;
	s21 =	smax.u32 s7, $0x1;
	[dreg:$0x15] =	wrdreg s19  }
0x19: {  	s16 =	sshrl.u32 s9, $0x3;
	s22 =	sadd.s32 $0xFA00, s5;
	[dreg:$0x16] =	wrdreg s21  }
0x1a: {  	s23 =	sadd.s32 $0x11940, s5;
	s20 =	sadd.s32 s10, s16;
	[dreg:$0x17] =	wrdreg s22  }
0x1b: {  	[dreg:$0x18] =	wrdreg s23;
	s24 =	sadd.s32 $0x1F40, s2;
	s13 =	simm.s32 $0x2  }
0x1c: {  	s14 =	simm.s32 $0x14AF8;
	s15 =	simm.s32 $0x7;
	s16 =	simm.s32 $0x7D0  }
0x1d: {  	s17 =	simm.s32 $0x18AF8;
	s18 =	simm.s32 $0x152F8;
	s19 =	simm.s32 $0x13AF8  }
0x1e: {  	s21 =	simm.s32 $0x142F8;
	s22 =	simm.s32 $0x3;
	s23 =	simm.s32 $0x4  }
0x1f: {  	[dreg:$0x19] =	wrdreg s24;
	s25 =	sadd.s32 $0x9C40, s20;
	s26 =	sadd.s32 $0xFA, s20  }
.Ltmp0:
0x20: {  	s30 =	sadd.s32 $0x9D3A, s20;
	s31 =	sadd.s32 $0x1F4, s20;
	(pc) =	sbr.rel .LBB2_1-.Ltmp0, $4  }
0x21: {  	s6 =	sadd.s32 $0x9E34, s20;
	s7 =	sadd.s32 $0x2EE, s20;
	[dreg:$0x1a] =	wrdreg s25  }
0x22: {  	s8 =	sadd.s32 $0x9F2E, s20;
	s9 =	sadd.s32 $0x3E8, s20;
	[dreg:$0x1b] =	wrdreg s26  }
0x23: {  	s10 =	sadd.s32 $0xA028, s20;
	s24 =	simm.s32 $0x5;
	[dreg:$0x1c] =	wrdreg s30  }
0x24: {  	v0 =	vimm.f32 $0.0e+00;
	v1 =	vimm.f32 $1.000000000e+00;
	[dreg:$0x1d] =	wrdreg s31;
	s25 =	simm.s32 $0x6;
	s26 =	simm.s32 $0x15AF8  }
.LBB2_26:
0x25: {  	v2 =	vld [tilespmem:s30+$0x16AF8];
	_ =	sdelay $0x1  }
0x26: {  	v3 =	vld [tilespmem:s30+$0x15AF8];
	_ =	sdelay $0x2  }
0x27: {  	v4 =	vtrunc.f32 v2  }
0x28: {  	v4 =	vcvt.f32.s32 v4  }
0x29: {  	v3 =	vshll.u32 v3, $0x7  }
0x2a: {  	v3 =	vor.u32 $0x7F, v3;
	vm0 =	vgt.s32 v4, $0x7D  }
0x2b: {  	[tilespmem:s30+$0x17AF8] =	vst v3;
	v2 =	vnsel vm0, $0x0, v2  }
0x2c: {  	[tilespmem:s30+$0x16AF8] =	vst v2  }
0x2d: {  	[spmem:s1] =	stream.indirect.scatter.add.f32 [tilespmem:s28], [sflag:$0x7], $0x1, s29, s16, $0xb8;
	[tilespmem:$0x1B278] =	vst v63  }
0x2e: {  	_ =	swait.ge [sflag:s15], $0x7D0  }
0x2f: {  	[sflag:s15] =	ssyncset.done $0x0  }
0x30: {  	[sflag:s15] =	ssyncadd.s32 $0xFFFFF830  }
.LBB2_27:
0x31: {  	s0 =	stileid.u32  }
0x32: {  	[bflag:$0x0] =	sbarrier.arrive $0xFFFF;
	s0 =	sshll.u32 s0, $0x6  }
0x33: {  	s4 =	sshrl.u32 s5, $0x3;
	s30 =	rddreg [dreg:$0x13];
	s0 =	sor.u32 $0x1C07, s0  }
0x34: {  	[hbm:s30], [sflag:s0] =	dma.local [spmem:s4], $0x2710  }
0x35: {  	_ =	swait.ge [sflag:s15], $0x2710  }
0x36: {  	s3 =	sadd.s32 $0x1, s3;
	s31 =	rddreg [dreg:$0x16]  }
0x37: {  	p1 =	sne.s32 s3, s31  }
.Ltmp1:
0x38: {  	_ = 	snop;
	(pc) =	sbr.rel @!p1 .LBB2_28-.Ltmp1, $3  }
0x39: {  	_ =	sdelay $0x1  }
0x3a: {  	[sflag:s15] =	ssyncset.done $0x0  }
0x3b: {  	[sflag:s15] =	ssyncadd.s32 $0xFFFFD8F0  }
.LBB2_1:
0x3c: {  	s0 =	simm.s32 $0x0  }
.LBB2_2:
0x3d: {  	p1 =	sne.s32 s0, $0x7CC0  }
.Ltmp2:
0x3e: {  	_ = 	snop;
	(pc) =	sbr.rel @p1 .LBB2_2-.Ltmp2, $3  }
0x3f: {  	_ =	sdelay $0x1  }
0x40: {  	s30 =	sshra.s32 s0, $0x2  }
0x41: {  	s0 =	sadd.s32 $0x40, s0;
	[tilespmem:s30+$0x192F8] =	vst v0  }
0x42: {  	s0 =	simm.s32 $0x40;
	s30 =	simm.s32 $0x0  }
.LBB2_4:
0x43: {  	p1 =	sne.s32 s0, $0x1F00;
	[tilespmem:s30+$0x18AF8] =	vst v1;
	s30 =	smov.u32 s0;
	s0 =	sadd.s32 $0x40, s0  }
.Ltmp3:
0x44: {  	(pc) =	sbr.rel @p1 .LBB2_4-.Ltmp3, $2  }
0x45: {  	_ =	sdelay $0x2  }
0x46: {  	s30 =	sshra.s32 s30, $0x2  }
0x47: {  	[tilespmem:s30+$0x18AF8] =	vst v1  }
0x48: {  	[spmem:s5] =	stream.linear.scatter [tilespmem:s11], [sflag:$0x1], $0x1F40, $0x38;
	[tilespmem:$0x1B278] =	vst v63  }
0x49: {  	s0 =	rddreg [dreg:$0x4]  }
0x4a: {  	[spmem:s0] =	stream.linear.scatter [tilespmem:s11], [sflag:$0x2], $0x1F40, $0x38;
	[tilespmem:$0x1B278] =	vst v63  }
0x4b: {  	s4 =	rddreg [dreg:$0x5]  }
0x4c: {  	[spmem:s4] =	stream.linear.scatter [tilespmem:s11], [sflag:$0x1], $0x1F40, $0x38;
	[tilespmem:$0x1B278] =	vst v63  }
0x4d: {  	s4 =	rddreg [dreg:$0x6]  }
0x4e: {  	[spmem:s4] =	stream.linear.scatter [tilespmem:s11], [sflag:$0x2], $0x1F40, $0x38;
	[tilespmem:$0x1B278] =	vst v63  }
0x4f: {  	s4 =	rddreg [dreg:$0x7]  }
0x50: {  	[spmem:s4] =	stream.linear.scatter [tilespmem:s11], [sflag:$0x1], $0x1F40, $0x38;
	[tilespmem:$0x1B278] =	vst v63  }
0x51: {  	s4 =	rddreg [dreg:$0x8]  }
0x52: {  	[spmem:s4] =	stream.linear.scatter [tilespmem:s11], [sflag:$0x2], $0x1F40, $0x38;
	[tilespmem:$0x1B278] =	vst v63  }
0x53: {  	s4 =	rddreg [dreg:$0x9]  }
0x54: {  	[spmem:s4] =	stream.linear.scatter [tilespmem:s11], [sflag:$0x1], $0x1F40, $0x38;
	[tilespmem:$0x1B278] =	vst v63  }
0x55: {  	s4 =	rddreg [dreg:$0xa]  }
0x56: {  	[spmem:s4] =	stream.linear.scatter [tilespmem:s11], [sflag:$0x2], $0x1F40, $0x38;
	[tilespmem:$0x1B278] =	vst v63  }
0x57: {  	s4 =	rddreg [dreg:$0x17]  }
0x58: {  	[spmem:s4] =	stream.linear.scatter [tilespmem:s11], [sflag:$0x1], $0x1F40, $0x38;
	[tilespmem:$0x1B278] =	vst v63  }
0x59: {  	s4 =	rddreg [dreg:$0x18]  }
0x5a: {  	[spmem:s4] =	stream.linear.scatter [tilespmem:s11], [sflag:$0x2], $0x1F40, $0x38;
	[tilespmem:$0x1B278] =	vst v63  }
0x5b: {  	s30 =	simm.s32 @!p0 $0x7;
	s0 =	simm.s32 @!p0 $0x192F8  }
0x5c: {  	[spmem:s2] =	stream.linear.scatter @!p0 [tilespmem:s0], [sflag:$0x7], $0x1F40, $0x38;
	[tilespmem:$0x1B278] =	vst v63  }
0x5d: {  	_ =	swait.ge @!p0 [sflag:s30], $0x1F40  }
0x5e: {  	[sflag:s30] =	ssyncset.done @!p0 $0x0  }
0x5f: {  	s4 =	rddreg [dreg:$0x19];
	[sflag:s30] =	ssyncadd.s32 @!p0 $0xFFFFE0C0  }
0x60: {  	[spmem:s4] =	stream.linear.scatter @!p0 [tilespmem:s0], [sflag:$0x7], $0x7D0, $0x38;
	[tilespmem:$0x1B278] =	vst v63  }
0x61: {  	_ =	swait.ge @!p0 [sflag:s30], $0x7D0  }
0x62: {  	[sflag:s30] =	ssyncset.done @!p0 $0x0  }
0x63: {  	[sflag:s30] =	ssyncadd.s32 @!p0 $0xFFFFF830  }
0x64: {  	_ =	swait.ge [sflag:s12], $0x1F40  }
0x65: {  	[sflag:s12] =	ssyncset.done $0x0  }
0x66: {  	[sflag:s12] =	ssyncadd.s32 $0xFFFFE0C0  }
0x67: {  	_ =	swait.ge [sflag:s13], $0x1F40  }
0x68: {  	[sflag:s13] =	ssyncset.done $0x0  }
0x69: {  	[sflag:s13] =	ssyncadd.s32 $0xFFFFE0C0  }
0x6a: {  	_ =	swait.ge [sflag:s12], $0x1F40  }
0x6b: {  	[sflag:s12] =	ssyncset.done $0x0  }
0x6c: {  	[sflag:s12] =	ssyncadd.s32 $0xFFFFE0C0  }
0x6d: {  	_ =	swait.ge [sflag:s13], $0x1F40  }
0x6e: {  	[sflag:s13] =	ssyncset.done $0x0  }
0x6f: {  	[sflag:s13] =	ssyncadd.s32 $0xFFFFE0C0  }
0x70: {  	_ =	swait.ge [sflag:s12], $0x1F40  }
0x71: {  	[sflag:s12] =	ssyncset.done $0x0  }
0x72: {  	[sflag:s12] =	ssyncadd.s32 $0xFFFFE0C0  }
0x73: {  	_ =	swait.ge [sflag:s13], $0x1F40  }
0x74: {  	[sflag:s13] =	ssyncset.done $0x0  }
0x75: {  	[sflag:s13] =	ssyncadd.s32 $0xFFFFE0C0  }
0x76: {  	_ =	swait.ge [sflag:s12], $0x1F40  }
0x77: {  	[sflag:s12] =	ssyncset.done $0x0  }
0x78: {  	[sflag:s12] =	ssyncadd.s32 $0xFFFFE0C0  }
0x79: {  	_ =	swait.ge [sflag:s13], $0x1F40  }
0x7a: {  	[sflag:s13] =	ssyncset.done $0x0  }
0x7b: {  	[sflag:s13] =	ssyncadd.s32 $0xFFFFE0C0  }
0x7c: {  	_ =	swait.ge [sflag:s12], $0x1F40  }
0x7d: {  	[sflag:s12] =	ssyncset.done $0x0  }
0x7e: {  	[sflag:s12] =	ssyncadd.s32 $0xFFFFE0C0  }
0x7f: {  	_ =	swait.ge [sflag:s13], $0x1F40  }
0x80: {  	[sflag:s13] =	ssyncset.done $0x0  }
0x81: {  	[sflag:s13] =	ssyncadd.s32 $0xFFFFE0C0  }
0x82: {  	[bflag:$0x0] =	sbarrier.arrive $0xFFFF  }
0x83: {  	s30 =	simm.s32 $0x0;
	s4 =	rddreg [dreg:$0xb]  }
0x84: {  	[tilespmem:s14], [sflag:$0x7] =	stream.linear.gather [hbm4b:s4+s30], $0x7D0, $0x38;
	[tilespmem:$0x1B278] =	vst v63  }
0x85: {  	_ =	swait.ge [sflag:s15], $0x7D0  }
0x86: {  	[sflag:s15] =	ssyncset.done $0x0  }
0x87: {  	[sflag:s15] =	ssyncadd.s32 $0xFFFFF830  }
0x88: {  	[spmem:s2] =	stream.indirect.scatter.add.f32 [tilespmem:s17], [sflag:$0x3], $0x1, s14, s16, $0xb8;
	[tilespmem:$0x1B278] =	vst v63  }
0x89: {  	s4 =	rddreg [dreg:$0xc]  }
0x8a: {  	[tilespmem:s18], [sflag:$0x7] =	stream.linear.gather [hbm4b:s4+s30], $0x7D0, $0x38;
	[tilespmem:$0x1B278] =	vst v63  }
0x8b: {  	_ =	swait.ge [sflag:s15], $0x7D0  }
0x8c: {  	[sflag:s15] =	ssyncset.done $0x0  }
0x8d: {  	[sflag:s15] =	ssyncadd.s32 $0xFFFFF830  }
0x8e: {  	[spmem:s2] =	stream.indirect.scatter.add.f32 [tilespmem:s17], [sflag:$0x4], $0x1, s18, s16, $0xb8;
	[tilespmem:$0x1B278] =	vst v63  }
0x8f: {  	s4 =	rddreg [dreg:$0xd]  }
0x90: {  	[tilespmem:s19], [sflag:$0x7] =	stream.linear.gather [hbm4b:s4+s30], $0x7D0, $0x38;
	[tilespmem:$0x1B278] =	vst v63  }
0x91: {  	_ =	swait.ge [sflag:s15], $0x7D0  }
0x92: {  	[sflag:s15] =	ssyncset.done $0x0  }
0x93: {  	[sflag:s15] =	ssyncadd.s32 $0xFFFFF830  }
0x94: {  	[spmem:s2] =	stream.indirect.scatter.add.f32 [tilespmem:s17], [sflag:$0x5], $0x1, s19, s16, $0xb8;
	[tilespmem:$0x1B278] =	vst v63  }
0x95: {  	s4 =	rddreg [dreg:$0xe]  }
0x96: {  	[tilespmem:s21], [sflag:$0x7] =	stream.linear.gather [hbm4b:s4+s30], $0x7D0, $0x38;
	[tilespmem:$0x1B278] =	vst v63  }
0x97: {  	_ =	swait.ge [sflag:s15], $0x7D0  }
0x98: {  	[sflag:s15] =	ssyncset.done $0x0  }
0x99: {  	[sflag:s15] =	ssyncadd.s32 $0xFFFFF830  }
0x9a: {  	[spmem:s2] =	stream.indirect.scatter.add.f32 [tilespmem:s17], [sflag:$0x6], $0x1, s21, s16, $0xb8;
	[tilespmem:$0x1B278] =	vst v63  }
0x9b: {  	_ =	swait.ge [sflag:s22], $0x7D0  }
0x9c: {  	[sflag:s22] =	ssyncset.done $0x0  }
0x9d: {  	s4 =	rddreg [dreg:$0xf];
	[sflag:s22] =	ssyncadd.s32 $0xFFFFF830  }
0x9e: {  	[tilespmem:s14], [sflag:$0x7] =	stream.linear.gather [hbm4b:s4+s30], $0x7D0, $0x38;
	[tilespmem:$0x1B278] =	vst v63  }
0x9f: {  	_ =	swait.ge [sflag:s15], $0x7D0  }
0xa0: {  	[sflag:s15] =	ssyncset.done $0x0  }
0xa1: {  	[sflag:s15] =	ssyncadd.s32 $0xFFFFF830  }
0xa2: {  	[spmem:s2] =	stream.indirect.scatter.add.f32 [tilespmem:s17], [sflag:$0x3], $0x1, s14, s16, $0xb8;
	[tilespmem:$0x1B278] =	vst v63  }
0xa3: {  	_ =	swait.ge [sflag:s23], $0x7D0  }
0xa4: {  	[sflag:s23] =	ssyncset.done $0x0  }
0xa5: {  	s4 =	rddreg [dreg:$0x10];
	[sflag:s23] =	ssyncadd.s32 $0xFFFFF830  }
0xa6: {  	[tilespmem:s18], [sflag:$0x7] =	stream.linear.gather [hbm4b:s4+s30], $0x7D0, $0x38;
	[tilespmem:$0x1B278] =	vst v63  }
0xa7: {  	_ =	swait.ge [sflag:s15], $0x7D0  }
0xa8: {  	[sflag:s15] =	ssyncset.done $0x0  }
0xa9: {  	[sflag:s15] =	ssyncadd.s32 $0xFFFFF830  }
0xaa: {  	[spmem:s2] =	stream.indirect.scatter.add.f32 [tilespmem:s17], [sflag:$0x4], $0x1, s18, s16, $0xb8;
	[tilespmem:$0x1B278] =	vst v63  }
0xab: {  	_ =	swait.ge [sflag:s24], $0x7D0  }
0xac: {  	[sflag:s24] =	ssyncset.done $0x0  }
0xad: {  	s4 =	rddreg [dreg:$0x11];
	[sflag:s24] =	ssyncadd.s32 $0xFFFFF830  }
0xae: {  	[tilespmem:s19], [sflag:$0x7] =	stream.linear.gather [hbm4b:s4+s30], $0x7D0, $0x38;
	[tilespmem:$0x1B278] =	vst v63  }
0xaf: {  	_ =	swait.ge [sflag:s15], $0x7D0  }
0xb0: {  	[sflag:s15] =	ssyncset.done $0x0  }
0xb1: {  	[sflag:s15] =	ssyncadd.s32 $0xFFFFF830  }
0xb2: {  	[spmem:s2] =	stream.indirect.scatter.add.f32 [tilespmem:s17], [sflag:$0x5], $0x1, s19, s16, $0xb8;
	[tilespmem:$0x1B278] =	vst v63  }
0xb3: {  	_ =	swait.ge [sflag:s25], $0x7D0  }
0xb4: {  	[sflag:s25] =	ssyncset.done $0x0  }
0xb5: {  	s4 =	rddreg [dreg:$0x12];
	[sflag:s25] =	ssyncadd.s32 $0xFFFFF830  }
0xb6: {  	[tilespmem:s21], [sflag:$0x7] =	stream.linear.gather [hbm4b:s4+s30], $0x7D0, $0x38;
	[tilespmem:$0x1B278] =	vst v63  }
0xb7: {  	_ =	swait.ge [sflag:s15], $0x7D0  }
0xb8: {  	[sflag:s15] =	ssyncset.done $0x0  }
0xb9: {  	[sflag:s15] =	ssyncadd.s32 $0xFFFFF830  }
0xba: {  	[spmem:s2] =	stream.indirect.scatter.add.f32 [tilespmem:s17], [sflag:$0x6], $0x1, s21, s16, $0xb8;
	[tilespmem:$0x1B278] =	vst v63  }
0xbb: {  	_ =	swait.ge [sflag:s22], $0x7D0  }
0xbc: {  	[sflag:s22] =	ssyncset.done $0x0  }
0xbd: {  	s4 =	rddreg [dreg:$0x14];
	[sflag:s22] =	ssyncadd.s32 $0xFFFFF830  }
0xbe: {  	[tilespmem:s14], [sflag:$0x7] =	stream.linear.gather [hbm4b:s4+s30], $0x7D0, $0x38;
	[tilespmem:$0x1B278] =	vst v63  }
0xbf: {  	_ =	swait.ge [sflag:s15], $0x7D0  }
0xc0: {  	[sflag:s15] =	ssyncset.done $0x0  }
0xc1: {  	[sflag:s15] =	ssyncadd.s32 $0xFFFFF830  }
0xc2: {  	[spmem:s2] =	stream.indirect.scatter.add.f32 [tilespmem:s17], [sflag:$0x3], $0x1, s14, s16, $0xb8;
	[tilespmem:$0x1B278] =	vst v63  }
0xc3: {  	_ =	swait.ge [sflag:s23], $0x7D0  }
0xc4: {  	[sflag:s23] =	ssyncset.done $0x0  }
0xc5: {  	s4 =	rddreg [dreg:$0x15];
	[sflag:s23] =	ssyncadd.s32 $0xFFFFF830  }
0xc6: {  	[tilespmem:s18], [sflag:$0x7] =	stream.linear.gather [hbm4b:s4+s30], $0x7D0, $0x38;
	[tilespmem:$0x1B278] =	vst v63  }
0xc7: {  	_ =	swait.ge [sflag:s15], $0x7D0  }
0xc8: {  	[sflag:s15] =	ssyncset.done $0x0  }
0xc9: {  	[sflag:s15] =	ssyncadd.s32 $0xFFFFF830  }
0xca: {  	[spmem:s2] =	stream.indirect.scatter.add.f32 [tilespmem:s17], [sflag:$0x4], $0x1, s18, s16, $0xb8;
	[tilespmem:$0x1B278] =	vst v63  }
0xcb: {  	_ =	swait.ge [sflag:s22], $0x7D0  }
0xcc: {  	[sflag:s22] =	ssyncset.done $0x0  }
0xcd: {  	[sflag:s22] =	ssyncadd.s32 $0xFFFFF830  }
0xce: {  	_ =	swait.ge [sflag:s23], $0x7D0  }
0xcf: {  	[sflag:s23] =	ssyncset.done $0x0  }
0xd0: {  	[sflag:s23] =	ssyncadd.s32 $0xFFFFF830  }
0xd1: {  	_ =	swait.ge [sflag:s24], $0x7D0  }
0xd2: {  	[sflag:s24] =	ssyncset.done $0x0  }
0xd3: {  	[sflag:s24] =	ssyncadd.s32 $0xFFFFF830  }
0xd4: {  	_ =	swait.ge [sflag:s25], $0x7D0  }
0xd5: {  	[sflag:s25] =	ssyncset.done $0x0  }
0xd6: {  	[sflag:s25] =	ssyncadd.s32 $0xFFFFF830  }
0xd7: {  	[bflag:$0x0] =	sbarrier.arrive $0xFFFF  }
0xd8: {  	[tilespmem:s19], [sflag:$0x7] =	stream.linear.gather [hbm4b:s20+s30], $0x7D0, $0x38;
	[tilespmem:$0x1B278] =	vst v63  }
0xd9: {  	_ =	swait.ge [sflag:s15], $0x7D0  }
0xda: {  	[sflag:s15] =	ssyncset.done $0x0  }
0xdb: {  	s4 =	rddreg [dreg:$0x1a];
	[sflag:s15] =	ssyncadd.s32 $0xFFFFF830  }
0xdc: {  	[tilespmem:s26], [sflag:$0x7] =	stream.linear.gather [hbm4b:s4+s30], $0x7D0, $0x38;
	[tilespmem:$0x1B278] =	vst v63  }
0xdd: {  	_ =	swait.ge [sflag:s15], $0x7D0  }
0xde: {  	[sflag:s15] =	ssyncset.done $0x0  }
0xdf: {  	[sflag:s15] =	ssyncadd.s32 $0xFFFFF830  }
0xe0: {  	[tilespmem:s28], [sflag:$0x1] =	stream.indirect.gather [spmem:s2], $0x1, s19, s16, $0xb8;
	[tilespmem:$0x1B278] =	vst v63  }
0xe1: {  	_ =	swait.ge [sflag:s12], $0x7D0  }
0xe2: {  	[sflag:s12] =	ssyncset.done $0x0  }
0xe3: {  	s4 =	rddreg [dreg:$0x1b];
	[sflag:s12] =	ssyncadd.s32 $0xFFFFF830  }
0xe4: {  	[tilespmem:s21], [sflag:$0x7] =	stream.linear.gather [hbm4b:s4+s30], $0x7D0, $0x38;
	[tilespmem:$0x1B278] =	vst v63  }
0xe5: {  	_ =	swait.ge [sflag:s15], $0x7D0  }
0xe6: {  	[sflag:s15] =	ssyncset.done $0x0  }
0xe7: {  	s4 =	simm.s32 $0x162F8;
	s0 =	rddreg [dreg:$0x1c];
	[sflag:s15] =	ssyncadd.s32 $0xFFFFF830  }
0xe8: {  	[tilespmem:s4], [sflag:$0x7] =	stream.linear.gather [hbm4b:s0+s30], $0x7D0, $0x38;
	[tilespmem:$0x1B278] =	vst v63  }
0xe9: {  	_ =	swait.ge [sflag:s15], $0x7D0  }
0xea: {  	[sflag:s15] =	ssyncset.done $0x0  }
0xeb: {  	s4 =	simm.s32 $0x172F8;
	s30 =	simm.s32 $0x0;
	[sflag:s15] =	ssyncadd.s32 $0xFFFFF830  }
0xec: {  	[tilespmem:s4], [sflag:$0x2] =	stream.indirect.gather [spmem:s2], $0x1, s21, s16, $0xb8;
	[tilespmem:$0x1B278] =	vst v63  }
0xed: {  	v3 =	vld [tilespmem:s30+$0x16AF8];
	_ =	sdelay $0x4  }
0xee: {  	v2 =	vtrunc.f32 v3  }
0xef: {  	v2 =	vcvt.f32.s32 v2  }
0xf0: {  	v4 =	vld [tilespmem:s30+$0x15AF8]  }
0xf1: {  	s31 =	simm.s32 $0x10;
	vm0 =	vlt.s32 v2, $0x7E  }
0xf2: {  	v6 =	vnsel vm0, $0x7E, v2;
	v2 =	vld [tilespmem:s31+$0x16AF8];
	_ =	sdelay $0x2  }
0xf3: {  	v5 =	vimm.f32 $0.0e+00;
	v7 =	vshll.u32 v4, $0x7  }
0xf4: {  	s0 =	simm.s32 $0x80;
	v3 =	vmax.f32 v5, v3;
	v4 =	vld [tilespmem:s31+$0x15AF8];
	v5 =	vadd.s32 v6, v7  }
.LBB2_6:
0xf5: {  	s4 =	sshra.s32 s0, $0x2;
	p1 =	sne.s32 s0, $0x1F00;
	s0 =	sadd.s32 $0x40, s0;
	v6 =	vtrunc.f32 v2;
	v3 =	vmax.f32 v3, v2;
	[tilespmem:s30+$0x17AF8] =	vst v5  }
.Ltmp4:
0xf6: {  	s30 =	smov.u32 s31;
	v2 =	vld [tilespmem:s4+$0x16AF8];
	v5 =	vcvt.f32.s32 v6;
	s31 =	smov.u32 s4;
	(pc) =	sbr.rel @p1 .LBB2_6-.Ltmp4, $4  }
0xf7: {  	_ = 	snop  }
0xf8: {  	vm0 =	vlt.s32 v5, $0x7E  }
0xf9: {  	v5 =	vnsel vm0, $0x7E, v5;
	v6 =	vshll.u32 v4, $0x7  }
0xfa: {  	v4 =	vld [tilespmem:s31+$0x15AF8];
	v5 =	vadd.s32 v5, v6  }
0xfb: {  	v6 =	vtrunc.f32 v2  }
0xfc: {  	v6 =	vcvt.f32.s32 v6;
	_ =	sdelay $0x1  }
0xfd: {  	vm0 =	vlt.s32 v6, $0x7E  }
0xfe: {  	v6 =	vnsel vm0, $0x7E, v6;
	v4 =	vshll.u32 v4, $0x7  }
0xff: {  	[tilespmem:s30+$0x17AF8] =	vst v5;
	v4 =	vadd.s32 v6, v4  }
0x100: {  	[tilespmem:s31+$0x17AF8] =	vst v4  }
0x101: {  	[spmem:s1] =	stream.indirect.scatter.add.f32 [tilespmem:s17], [sflag:$0x3], $0x1, s29, s16, $0xb8;
	[tilespmem:$0x1B278] =	vst v63  }
0x102: {  	_ =	swait.ge [sflag:s13], $0x7D0  }
0x103: {  	[sflag:s13] =	ssyncset.done $0x0  }
0x104: {  	s0 =	simm.s32 $0x0;
	s4 =	rddreg [dreg:$0x1d];
	[sflag:s13] =	ssyncadd.s32 $0xFFFFF830  }
0x105: {  	[tilespmem:s19], [sflag:$0x7] =	stream.linear.gather [hbm4b:s4+s0], $0x7D0, $0x38;
	[tilespmem:$0x1B278] =	vst v63  }
0x106: {  	_ =	swait.ge [sflag:s15], $0x7D0  }
0x107: {  	[sflag:s15] =	ssyncset.done $0x0  }
0x108: {  	[sflag:s15] =	ssyncadd.s32 $0xFFFFF830  }
0x109: {  	[tilespmem:s26], [sflag:$0x7] =	stream.linear.gather [hbm4b:s6+s0], $0x7D0, $0x38;
	[tilespmem:$0x1B278] =	vst v63  }
0x10a: {  	_ =	swait.ge [sflag:s15], $0x7D0  }
0x10b: {  	[sflag:s15] =	ssyncset.done $0x0  }
0x10c: {  	s30 =	simm.s32 $0x0;
	[sflag:s15] =	ssyncadd.s32 $0xFFFFF830  }
0x10d: {  	[tilespmem:s28], [sflag:$0x1] =	stream.indirect.gather [spmem:s2], $0x1, s19, s16, $0xb8;
	[tilespmem:$0x1B278] =	vst v63  }
0x10e: {  	v4 =	vld [tilespmem:s30+$0x172F8];
	_ =	sdelay $0x3  }
0x10f: {  	v5 =	vld [tilespmem:s30+$0x162F8]  }
0x110: {  	s31 =	simm.s32 $0x10;
	v6 =	vtrunc.f32 v4  }
0x111: {  	v3 =	vmax.f32 v3, v2;
	v2 =	vld [tilespmem:s31+$0x172F8];
	v6 =	vcvt.f32.s32 v6;
	_ =	sdelay $0x1  }
0x112: {  	vm15 =	vlt.s32 v6, $0x7E  }
0x113: {  	v5 =	vshll.u32 v5, $0x7;
	v6 =	vnsel vm15, $0x7E, v6  }
0x114: {  	s0 =	simm.s32 $0x80;
	v3 =	vmax.f32 v3, v4;
	v4 =	vld [tilespmem:s31+$0x162F8];
	v5 =	vadd.s32 v6, v5  }
.LBB2_8:
0x115: {  	s4 =	sshra.s32 s0, $0x2;
	p1 =	sne.s32 s0, $0x1F00;
	s0 =	sadd.s32 $0x40, s0;
	v6 =	vtrunc.f32 v2;
	v3 =	vmax.f32 v3, v2;
	[tilespmem:s30+$0x182F8] =	vst v5  }
.Ltmp5:
0x116: {  	s30 =	smov.u32 s31;
	v2 =	vld [tilespmem:s4+$0x172F8];
	v5 =	vcvt.f32.s32 v6;
	s31 =	smov.u32 s4;
	(pc) =	sbr.rel @p1 .LBB2_8-.Ltmp5, $4  }
0x117: {  	_ = 	snop  }
0x118: {  	vm0 =	vlt.s32 v5, $0x7E  }
0x119: {  	v5 =	vnsel vm0, $0x7E, v5;
	v6 =	vshll.u32 v4, $0x7  }
0x11a: {  	v4 =	vld [tilespmem:s31+$0x162F8];
	v5 =	vadd.s32 v5, v6  }
0x11b: {  	v6 =	vtrunc.f32 v2  }
0x11c: {  	v6 =	vcvt.f32.s32 v6;
	_ =	sdelay $0x1  }
0x11d: {  	vm0 =	vlt.s32 v6, $0x7E  }
0x11e: {  	v6 =	vnsel vm0, $0x7E, v6;
	v4 =	vshll.u32 v4, $0x7  }
0x11f: {  	[tilespmem:s30+$0x182F8] =	vst v5;
	v4 =	vadd.s32 v6, v4  }
0x120: {  	s0 =	simm.s32 $0x182F8;
	[tilespmem:s31+$0x182F8] =	vst v4  }
0x121: {  	[spmem:s1] =	stream.indirect.scatter.add.f32 [tilespmem:s17], [sflag:$0x4], $0x1, s0, s16, $0xb8;
	[tilespmem:$0x1B278] =	vst v63  }
0x122: {  	_ =	swait.ge [sflag:s22], $0x7D0  }
0x123: {  	[sflag:s22] =	ssyncset.done $0x0  }
0x124: {  	[sflag:s22] =	ssyncadd.s32 $0xFFFFF830  }
0x125: {  	_ =	swait.ge [sflag:s12], $0x7D0  }
0x126: {  	[sflag:s12] =	ssyncset.done $0x0  }
0x127: {  	s0 =	simm.s32 $0x0;
	[sflag:s12] =	ssyncadd.s32 $0xFFFFF830  }
0x128: {  	[tilespmem:s21], [sflag:$0x7] =	stream.linear.gather [hbm4b:s7+s0], $0x7D0, $0x38;
	[tilespmem:$0x1B278] =	vst v63  }
0x129: {  	_ =	swait.ge [sflag:s15], $0x7D0  }
0x12a: {  	[sflag:s15] =	ssyncset.done $0x0  }
0x12b: {  	s4 =	simm.s32 $0x162F8;
	[sflag:s15] =	ssyncadd.s32 $0xFFFFF830  }
0x12c: {  	[tilespmem:s4], [sflag:$0x7] =	stream.linear.gather [hbm4b:s8+s0], $0x7D0, $0x38;
	[tilespmem:$0x1B278] =	vst v63  }
0x12d: {  	_ =	swait.ge [sflag:s15], $0x7D0  }
0x12e: {  	[sflag:s15] =	ssyncset.done $0x0  }
0x12f: {  	s30 =	simm.s32 $0x0;
	s4 =	simm.s32 $0x172F8;
	[sflag:s15] =	ssyncadd.s32 $0xFFFFF830  }
0x130: {  	[tilespmem:s4], [sflag:$0x2] =	stream.indirect.gather [spmem:s2], $0x1, s21, s16, $0xb8;
	[tilespmem:$0x1B278] =	vst v63  }
0x131: {  	v4 =	vld [tilespmem:s30+$0x16AF8];
	_ =	sdelay $0x3  }
0x132: {  	v5 =	vld [tilespmem:s30+$0x15AF8]  }
0x133: {  	s31 =	simm.s32 $0x10;
	v6 =	vtrunc.f32 v4  }
0x134: {  	v3 =	vmax.f32 v3, v2;
	v2 =	vld [tilespmem:s31+$0x16AF8];
	v6 =	vcvt.f32.s32 v6;
	_ =	sdelay $0x1  }
0x135: {  	vm15 =	vlt.s32 v6, $0x7E  }
0x136: {  	v5 =	vshll.u32 v5, $0x7;
	v6 =	vnsel vm15, $0x7E, v6  }
0x137: {  	s0 =	simm.s32 $0x80;
	v3 =	vmax.f32 v3, v4;
	v4 =	vld [tilespmem:s31+$0x15AF8];
	v5 =	vadd.s32 v6, v5  }
.LBB2_10:
0x138: {  	s4 =	sshra.s32 s0, $0x2;
	p1 =	sne.s32 s0, $0x1F00;
	s0 =	sadd.s32 $0x40, s0;
	v6 =	vtrunc.f32 v2;
	v3 =	vmax.f32 v3, v2;
	[tilespmem:s30+$0x17AF8] =	vst v5  }
.Ltmp6:
0x139: {  	s30 =	smov.u32 s31;
	v2 =	vld [tilespmem:s4+$0x16AF8];
	v5 =	vcvt.f32.s32 v6;
	s31 =	smov.u32 s4;
	(pc) =	sbr.rel @p1 .LBB2_10-.Ltmp6, $4  }
0x13a: {  	_ = 	snop  }
0x13b: {  	vm0 =	vlt.s32 v5, $0x7E  }
0x13c: {  	v5 =	vnsel vm0, $0x7E, v5;
	v6 =	vshll.u32 v4, $0x7  }
0x13d: {  	v4 =	vld [tilespmem:s31+$0x15AF8];
	v5 =	vadd.s32 v5, v6  }
0x13e: {  	v6 =	vtrunc.f32 v2  }
0x13f: {  	v6 =	vcvt.f32.s32 v6;
	_ =	sdelay $0x1  }
0x140: {  	vm0 =	vlt.s32 v6, $0x7E  }
0x141: {  	v6 =	vnsel vm0, $0x7E, v6;
	v4 =	vshll.u32 v4, $0x7  }
0x142: {  	[tilespmem:s30+$0x17AF8] =	vst v5;
	v4 =	vadd.s32 v6, v4  }
0x143: {  	[tilespmem:s31+$0x17AF8] =	vst v4  }
0x144: {  	[spmem:s1] =	stream.indirect.scatter.add.f32 [tilespmem:s17], [sflag:$0x3], $0x1, s29, s16, $0xb8;
	[tilespmem:$0x1B278] =	vst v63  }
0x145: {  	_ =	swait.ge [sflag:s23], $0x7D0  }
0x146: {  	[sflag:s23] =	ssyncset.done $0x0  }
0x147: {  	[sflag:s23] =	ssyncadd.s32 $0xFFFFF830  }
0x148: {  	_ =	swait.ge [sflag:s13], $0x7D0  }
0x149: {  	[sflag:s13] =	ssyncset.done $0x0  }
0x14a: {  	s0 =	simm.s32 $0x0;
	[sflag:s13] =	ssyncadd.s32 $0xFFFFF830  }
0x14b: {  	[tilespmem:s19], [sflag:$0x7] =	stream.linear.gather [hbm4b:s9+s0], $0x7D0, $0x38;
	[tilespmem:$0x1B278] =	vst v63  }
0x14c: {  	_ =	swait.ge [sflag:s15], $0x7D0  }
0x14d: {  	[sflag:s15] =	ssyncset.done $0x0  }
0x14e: {  	[sflag:s15] =	ssyncadd.s32 $0xFFFFF830  }
0x14f: {  	[tilespmem:s26], [sflag:$0x7] =	stream.linear.gather [hbm4b:s10+s0], $0x7D0, $0x38;
	[tilespmem:$0x1B278] =	vst v63  }
0x150: {  	_ =	swait.ge [sflag:s15], $0x7D0  }
0x151: {  	[sflag:s15] =	ssyncset.done $0x0  }
0x152: {  	s30 =	simm.s32 $0x0;
	[sflag:s15] =	ssyncadd.s32 $0xFFFFF830  }
0x153: {  	[tilespmem:s28], [sflag:$0x1] =	stream.indirect.gather [spmem:s2], $0x1, s19, s16, $0xb8;
	[tilespmem:$0x1B278] =	vst v63  }
0x154: {  	v4 =	vld [tilespmem:s30+$0x172F8];
	_ =	sdelay $0x3  }
0x155: {  	v5 =	vld [tilespmem:s30+$0x162F8]  }
0x156: {  	s31 =	simm.s32 $0x10;
	v6 =	vtrunc.f32 v4  }
0x157: {  	v3 =	vmax.f32 v3, v2;
	v2 =	vld [tilespmem:s31+$0x172F8];
	v6 =	vcvt.f32.s32 v6;
	_ =	sdelay $0x1  }
0x158: {  	vm15 =	vlt.s32 v6, $0x7E  }
0x159: {  	v5 =	vshll.u32 v5, $0x7;
	v6 =	vnsel vm15, $0x7E, v6  }
0x15a: {  	s0 =	simm.s32 $0x80;
	v3 =	vmax.f32 v3, v4;
	v4 =	vld [tilespmem:s31+$0x162F8];
	v5 =	vadd.s32 v6, v5  }
.LBB2_12:
0x15b: {  	s4 =	sshra.s32 s0, $0x2;
	p1 =	sne.s32 s0, $0x1F00;
	s0 =	sadd.s32 $0x40, s0;
	v6 =	vtrunc.f32 v2;
	v3 =	vmax.f32 v3, v2;
	[tilespmem:s30+$0x182F8] =	vst v5  }
.Ltmp7:
0x15c: {  	s30 =	smov.u32 s31;
	v2 =	vld [tilespmem:s4+$0x172F8];
	v5 =	vcvt.f32.s32 v6;
	s31 =	smov.u32 s4;
	(pc) =	sbr.rel @p1 .LBB2_12-.Ltmp7, $4  }
0x15d: {  	_ = 	snop  }
0x15e: {  	vm0 =	vlt.s32 v5, $0x7E  }
0x15f: {  	v5 =	vnsel vm0, $0x7E, v5;
	v6 =	vshll.u32 v4, $0x7  }
0x160: {  	v4 =	vld [tilespmem:s31+$0x162F8];
	v5 =	vadd.s32 v5, v6  }
0x161: {  	v6 =	vtrunc.f32 v2  }
0x162: {  	v6 =	vcvt.f32.s32 v6;
	_ =	sdelay $0x1  }
0x163: {  	vm0 =	vlt.s32 v6, $0x7E  }
0x164: {  	v6 =	vnsel vm0, $0x7E, v6;
	v4 =	vshll.u32 v4, $0x7  }
0x165: {  	[tilespmem:s30+$0x182F8] =	vst v5;
	v4 =	vadd.s32 v6, v4  }
0x166: {  	s0 =	simm.s32 $0x182F8;
	[tilespmem:s31+$0x182F8] =	vst v4  }
0x167: {  	[spmem:s1] =	stream.indirect.scatter.add.f32 [tilespmem:s17], [sflag:$0x4], $0x1, s0, s16, $0xb8;
	[tilespmem:$0x1B278] =	vst v63  }
0x168: {  	_ =	swait.ge [sflag:s22], $0x7D0  }
0x169: {  	[sflag:s22] =	ssyncset.done $0x0  }
0x16a: {  	[sflag:s22] =	ssyncadd.s32 $0xFFFFF830  }
0x16b: {  	_ =	swait.ge [sflag:s12], $0x7D0  }
0x16c: {  	[sflag:s12] =	ssyncset.done $0x0  }
0x16d: {  	s30 =	simm.s32 $0x0;
	[sflag:s12] =	ssyncadd.s32 $0xFFFFF830  }
0x16e: {  	v4 =	vld [tilespmem:s30+$0x16AF8];
	_ =	sdelay $0x3  }
0x16f: {  	v5 =	vld [tilespmem:s30+$0x15AF8]  }
0x170: {  	s31 =	simm.s32 $0x10;
	v6 =	vtrunc.f32 v4  }
0x171: {  	v3 =	vmax.f32 v3, v2;
	v2 =	vld [tilespmem:s31+$0x16AF8];
	v6 =	vcvt.f32.s32 v6;
	_ =	sdelay $0x1  }
0x172: {  	vm15 =	vlt.s32 v6, $0x7E  }
0x173: {  	v5 =	vshll.u32 v5, $0x7;
	v6 =	vnsel vm15, $0x7E, v6  }
0x174: {  	s0 =	simm.s32 $0x80;
	v3 =	vmax.f32 v3, v4;
	v4 =	vld [tilespmem:s31+$0x15AF8];
	v5 =	vadd.s32 v6, v5  }
.LBB2_14:
0x175: {  	s4 =	sshra.s32 s0, $0x2;
	p1 =	sne.s32 s0, $0x1F00;
	s0 =	sadd.s32 $0x40, s0;
	v6 =	vtrunc.f32 v2;
	v3 =	vmax.f32 v3, v2;
	[tilespmem:s30+$0x17AF8] =	vst v5  }
.Ltmp8:
0x176: {  	s30 =	smov.u32 s31;
	v2 =	vld [tilespmem:s4+$0x16AF8];
	v5 =	vcvt.f32.s32 v6;
	s31 =	smov.u32 s4;
	(pc) =	sbr.rel @p1 .LBB2_14-.Ltmp8, $4  }
0x177: {  	_ = 	snop  }
0x178: {  	vm0 =	vlt.s32 v5, $0x7E  }
0x179: {  	v5 =	vnsel vm0, $0x7E, v5;
	v6 =	vshll.u32 v4, $0x7  }
0x17a: {  	v4 =	vld [tilespmem:s31+$0x15AF8];
	v5 =	vadd.s32 v5, v6  }
0x17b: {  	v6 =	vtrunc.f32 v2  }
0x17c: {  	v6 =	vcvt.f32.s32 v6;
	_ =	sdelay $0x1  }
0x17d: {  	vm0 =	vlt.s32 v6, $0x7E  }
0x17e: {  	v6 =	vnsel vm0, $0x7E, v6;
	v4 =	vshll.u32 v4, $0x7  }
0x17f: {  	[tilespmem:s30+$0x17AF8] =	vst v5;
	v4 =	vadd.s32 v6, v4  }
0x180: {  	[tilespmem:s31+$0x17AF8] =	vst v4  }
0x181: {  	[spmem:s1] =	stream.indirect.scatter.add.f32 [tilespmem:s17], [sflag:$0x3], $0x1, s29, s16, $0xb8;
	[tilespmem:$0x1B278] =	vst v63  }
0x182: {  	_ =	swait.ge [sflag:s22], $0x7D0  }
0x183: {  	[sflag:s22] =	ssyncset.done $0x0  }
0x184: {  	[sflag:s22] =	ssyncadd.s32 $0xFFFFF830  }
0x185: {  	v2 =	vmax.f32 v3, v2;
	_ =	swait.ge [sflag:s23], $0x7D0  }
0x186: {  	(v2sf) =	vpush v2, $0x0  }
0x187: {  	(v2sf) =	vpush v2, $0x1  }
0x188: {  	(v2sf) =	vpush v2, $0x2  }
0x189: {  	(v2sf) =	vpush v2, $0x3  }
0x18a: {  	(v2sf) =	vpush v2, $0x4  }
0x18b: {  	(v2sf) =	vpush v2, $0x5  }
0x18c: {  	(v2sf) =	vpush v2, $0x6  }
0x18d: {  	(v2sf) =	vpush v2, $0x7  }
0x18e: {  	(v2sf) =	vpush v2, $0x8  }
0x18f: {  	(v2sf) =	vpush v2, $0x9  }
0x190: {  	(v2sf) =	vpush v2, $0xA  }
0x191: {  	(v2sf) =	vpush v2, $0xB  }
0x192: {  	(v2sf) =	vpush v2, $0xC  }
0x193: {  	(v2sf) =	vpush v2, $0xD  }
0x194: {  	(v2sf) =	vpush v2, $0xE  }
0x195: {  	s0 =	spop (v2sf);
	(v2sf) =	vpush v2, $0xF  }
0x196: {  	s4 =	spop (v2sf)  }
0x197: {  	s0 =	smax.f32 s0, s4;
	s30 =	spop (v2sf)  }
0x198: {  	s0 =	smax.f32 s0, s30;
	s31 =	spop (v2sf)  }
0x199: {  	s0 =	smax.f32 s0, s31;
	s30 =	spop (v2sf)  }
0x19a: {  	s0 =	smax.f32 s0, s30;
	s31 =	spop (v2sf)  }
0x19b: {  	s0 =	smax.f32 s0, s31;
	s30 =	spop (v2sf)  }
0x19c: {  	s0 =	smax.f32 s0, s30;
	s31 =	spop (v2sf)  }
0x19d: {  	s0 =	smax.f32 s0, s31;
	s30 =	spop (v2sf)  }
0x19e: {  	s0 =	smax.f32 s0, s30;
	s31 =	spop (v2sf)  }
0x19f: {  	s0 =	smax.f32 s0, s31;
	s30 =	spop (v2sf)  }
0x1a0: {  	s0 =	smax.f32 s0, s30;
	s31 =	spop (v2sf)  }
0x1a1: {  	s0 =	smax.f32 s0, s31;
	s30 =	spop (v2sf)  }
0x1a2: {  	s0 =	smax.f32 s0, s30;
	s31 =	spop (v2sf)  }
0x1a3: {  	s0 =	smax.f32 s0, s31;
	s30 =	spop (v2sf)  }
0x1a4: {  	s0 =	smax.f32 s0, s30;
	s31 =	spop (v2sf)  }
0x1a5: {  	s0 =	smax.f32 s0, s31  }
0x1a6: {  	p1 =	sge.f32 s0, $1.260000000e+02  }
.Ltmp9:
0x1a7: {  	_ = 	snop;
	(pc) =	sbr.rel @!p1 .LBB2_27-.Ltmp9, $3  }
0x1a8: {  	_ =	sdelay $0x1  }
0x1a9: {  	[sflag:s23] =	ssyncset.done $0x0  }
0x1aa: {  	[sflag:s23] =	ssyncadd.s32 $0xFFFFF830  }
0x1ab: {  	s0 =	simm.s32 $0x0  }
0x1ac: {  	[tilespmem:s19], [sflag:$0x7] =	stream.linear.gather [hbm4b:s20+s0], $0x7D0, $0x38;
	[tilespmem:$0x1B278] =	vst v63  }
0x1ad: {  	_ =	swait.ge [sflag:s15], $0x7D0  }
0x1ae: {  	[sflag:s15] =	ssyncset.done $0x0  }
0x1af: {  	s4 =	rddreg [dreg:$0x1a];
	[sflag:s15] =	ssyncadd.s32 $0xFFFFF830  }
0x1b0: {  	[tilespmem:s26], [sflag:$0x7] =	stream.linear.gather [hbm4b:s4+s0], $0x7D0, $0x38;
	[tilespmem:$0x1B278] =	vst v63  }
0x1b1: {  	_ =	swait.ge [sflag:s15], $0x7D0  }
0x1b2: {  	[sflag:s15] =	ssyncset.done $0x0  }
0x1b3: {  	[sflag:s15] =	ssyncadd.s32 $0xFFFFF830  }
0x1b4: {  	[tilespmem:s28], [sflag:$0x7] =	stream.indirect.gather [spmem:s2], $0x1, s19, s16, $0xb8;
	[tilespmem:$0x1B278] =	vst v63  }
0x1b5: {  	_ =	swait.ge [sflag:s15], $0x7D0  }
0x1b6: {  	[sflag:s15] =	ssyncset.done $0x0  }
0x1b7: {  	s30 =	simm.s32 $0x0;
	s0 =	simm.s32 $0x40;
	[sflag:s15] =	ssyncadd.s32 $0xFFFFF830  }
.LBB2_17:
0x1b8: {  	p1 =	sne.s32 s0, $0x1F00;
	v2 =	vld [tilespmem:s30+$0x16AF8]  }
0x1b9: {  	v3 =	vld [tilespmem:s30+$0x15AF8];
	_ =	sdelay $0x3  }
0x1ba: {  	v4 =	vtrunc.f32 v2  }
.Ltmp10:
0x1bb: {  	v4 =	vcvt.f32.s32 v4;
	v3 =	vshll.u32 v3, $0x7;
	(pc) =	sbr.rel @p1 .LBB2_17-.Ltmp10, $4  }
0x1bc: {  	v3 =	vor.u32 $0x7F, v3  }
0x1bd: {  	[tilespmem:s30+$0x17AF8] =	vst v3;
	vm0 =	vgt.s32 v4, $0x7D  }
0x1be: {  	v2 =	vnsel vm0, $0x0, v2  }
0x1bf: {  	[tilespmem:s30+$0x16AF8] =	vst v2;
	s30 =	sshra.s32 s0, $0x2;
	s0 =	sadd.s32 $0x40, s0  }
0x1c0: {  	v2 =	vld [tilespmem:s30+$0x16AF8];
	_ =	sdelay $0x1  }
0x1c1: {  	v3 =	vld [tilespmem:s30+$0x15AF8];
	_ =	sdelay $0x2  }
0x1c2: {  	v4 =	vtrunc.f32 v2  }
0x1c3: {  	v4 =	vcvt.f32.s32 v4  }
0x1c4: {  	v3 =	vshll.u32 v3, $0x7  }
0x1c5: {  	v3 =	vor.u32 $0x7F, v3;
	vm0 =	vgt.s32 v4, $0x7D  }
0x1c6: {  	[tilespmem:s30+$0x17AF8] =	vst v3;
	v2 =	vnsel vm0, $0x0, v2  }
0x1c7: {  	[tilespmem:s30+$0x16AF8] =	vst v2  }
0x1c8: {  	[spmem:s1] =	stream.indirect.scatter.add.f32 [tilespmem:s28], [sflag:$0x7], $0x1, s29, s16, $0xb8;
	[tilespmem:$0x1B278] =	vst v63  }
0x1c9: {  	_ =	swait.ge [sflag:s15], $0x7D0  }
0x1ca: {  	[sflag:s15] =	ssyncset.done $0x0  }
0x1cb: {  	s0 =	simm.s32 $0x0;
	s4 =	rddreg [dreg:$0x1b];
	[sflag:s15] =	ssyncadd.s32 $0xFFFFF830  }
0x1cc: {  	[tilespmem:s19], [sflag:$0x7] =	stream.linear.gather [hbm4b:s4+s0], $0x7D0, $0x38;
	[tilespmem:$0x1B278] =	vst v63  }
0x1cd: {  	_ =	swait.ge [sflag:s15], $0x7D0  }
0x1ce: {  	[sflag:s15] =	ssyncset.done $0x0  }
0x1cf: {  	s31 =	rddreg [dreg:$0x1c];
	[sflag:s15] =	ssyncadd.s32 $0xFFFFF830  }
0x1d0: {  	[tilespmem:s26], [sflag:$0x7] =	stream.linear.gather [hbm4b:s31+s0], $0x7D0, $0x38;
	[tilespmem:$0x1B278] =	vst v63  }
0x1d1: {  	_ =	swait.ge [sflag:s15], $0x7D0  }
0x1d2: {  	[sflag:s15] =	ssyncset.done $0x0  }
0x1d3: {  	[sflag:s15] =	ssyncadd.s32 $0xFFFFF830  }
0x1d4: {  	[tilespmem:s28], [sflag:$0x7] =	stream.indirect.gather [spmem:s2], $0x1, s19, s16, $0xb8;
	[tilespmem:$0x1B278] =	vst v63  }
0x1d5: {  	_ =	swait.ge [sflag:s15], $0x7D0  }
0x1d6: {  	[sflag:s15] =	ssyncset.done $0x0  }
0x1d7: {  	s30 =	simm.s32 $0x0;
	s0 =	simm.s32 $0x40;
	[sflag:s15] =	ssyncadd.s32 $0xFFFFF830  }
.LBB2_19:
0x1d8: {  	p1 =	sne.s32 s0, $0x1F00;
	v2 =	vld [tilespmem:s30+$0x16AF8]  }
0x1d9: {  	v3 =	vld [tilespmem:s30+$0x15AF8];
	_ =	sdelay $0x3  }
0x1da: {  	v4 =	vtrunc.f32 v2  }
.Ltmp11:
0x1db: {  	v4 =	vcvt.f32.s32 v4;
	v3 =	vshll.u32 v3, $0x7;
	(pc) =	sbr.rel @p1 .LBB2_19-.Ltmp11, $4  }
0x1dc: {  	v3 =	vor.u32 $0x7F, v3  }
0x1dd: {  	[tilespmem:s30+$0x17AF8] =	vst v3;
	vm0 =	vgt.s32 v4, $0x7D  }
0x1de: {  	v2 =	vnsel vm0, $0x0, v2  }
0x1df: {  	[tilespmem:s30+$0x16AF8] =	vst v2;
	s30 =	sshra.s32 s0, $0x2;
	s0 =	sadd.s32 $0x40, s0  }
0x1e0: {  	v2 =	vld [tilespmem:s30+$0x16AF8];
	_ =	sdelay $0x1  }
0x1e1: {  	v3 =	vld [tilespmem:s30+$0x15AF8];
	_ =	sdelay $0x2  }
0x1e2: {  	v4 =	vtrunc.f32 v2  }
0x1e3: {  	v4 =	vcvt.f32.s32 v4  }
0x1e4: {  	v3 =	vshll.u32 v3, $0x7  }
0x1e5: {  	v3 =	vor.u32 $0x7F, v3;
	vm0 =	vgt.s32 v4, $0x7D  }
0x1e6: {  	[tilespmem:s30+$0x17AF8] =	vst v3;
	v2 =	vnsel vm0, $0x0, v2  }
0x1e7: {  	[tilespmem:s30+$0x16AF8] =	vst v2  }
0x1e8: {  	[spmem:s1] =	stream.indirect.scatter.add.f32 [tilespmem:s28], [sflag:$0x7], $0x1, s29, s16, $0xb8;
	[tilespmem:$0x1B278] =	vst v63  }
0x1e9: {  	_ =	swait.ge [sflag:s15], $0x7D0  }
0x1ea: {  	[sflag:s15] =	ssyncset.done $0x0  }
0x1eb: {  	s0 =	simm.s32 $0x0;
	s4 =	rddreg [dreg:$0x1d];
	[sflag:s15] =	ssyncadd.s32 $0xFFFFF830  }
0x1ec: {  	[tilespmem:s19], [sflag:$0x7] =	stream.linear.gather [hbm4b:s4+s0], $0x7D0, $0x38;
	[tilespmem:$0x1B278] =	vst v63  }
0x1ed: {  	_ =	swait.ge [sflag:s15], $0x7D0  }
0x1ee: {  	[sflag:s15] =	ssyncset.done $0x0  }
0x1ef: {  	[sflag:s15] =	ssyncadd.s32 $0xFFFFF830  }
0x1f0: {  	[tilespmem:s26], [sflag:$0x7] =	stream.linear.gather [hbm4b:s6+s0], $0x7D0, $0x38;
	[tilespmem:$0x1B278] =	vst v63  }
0x1f1: {  	_ =	swait.ge [sflag:s15], $0x7D0  }
0x1f2: {  	[sflag:s15] =	ssyncset.done $0x0  }
0x1f3: {  	[sflag:s15] =	ssyncadd.s32 $0xFFFFF830  }
0x1f4: {  	[tilespmem:s28], [sflag:$0x7] =	stream.indirect.gather [spmem:s2], $0x1, s19, s16, $0xb8;
	[tilespmem:$0x1B278] =	vst v63  }
0x1f5: {  	_ =	swait.ge [sflag:s15], $0x7D0  }
0x1f6: {  	[sflag:s15] =	ssyncset.done $0x0  }
0x1f7: {  	s30 =	simm.s32 $0x0;
	s0 =	simm.s32 $0x40;
	[sflag:s15] =	ssyncadd.s32 $0xFFFFF830  }
.LBB2_21:
0x1f8: {  	p1 =	sne.s32 s0, $0x1F00;
	v2 =	vld [tilespmem:s30+$0x16AF8]  }
0x1f9: {  	v3 =	vld [tilespmem:s30+$0x15AF8];
	_ =	sdelay $0x3  }
0x1fa: {  	v4 =	vtrunc.f32 v2  }
.Ltmp12:
0x1fb: {  	v4 =	vcvt.f32.s32 v4;
	v3 =	vshll.u32 v3, $0x7;
	(pc) =	sbr.rel @p1 .LBB2_21-.Ltmp12, $4  }
0x1fc: {  	v3 =	vor.u32 $0x7F, v3  }
0x1fd: {  	[tilespmem:s30+$0x17AF8] =	vst v3;
	vm0 =	vgt.s32 v4, $0x7D  }
0x1fe: {  	v2 =	vnsel vm0, $0x0, v2  }
0x1ff: {  	[tilespmem:s30+$0x16AF8] =	vst v2;
	s30 =	sshra.s32 s0, $0x2;
	s0 =	sadd.s32 $0x40, s0  }
0x200: {  	v2 =	vld [tilespmem:s30+$0x16AF8];
	_ =	sdelay $0x1  }
0x201: {  	v3 =	vld [tilespmem:s30+$0x15AF8];
	_ =	sdelay $0x2  }
0x202: {  	v4 =	vtrunc.f32 v2  }
0x203: {  	v4 =	vcvt.f32.s32 v4  }
0x204: {  	v3 =	vshll.u32 v3, $0x7  }
0x205: {  	v3 =	vor.u32 $0x7F, v3;
	vm0 =	vgt.s32 v4, $0x7D  }
0x206: {  	[tilespmem:s30+$0x17AF8] =	vst v3;
	v2 =	vnsel vm0, $0x0, v2  }
0x207: {  	[tilespmem:s30+$0x16AF8] =	vst v2  }
0x208: {  	[spmem:s1] =	stream.indirect.scatter.add.f32 [tilespmem:s28], [sflag:$0x7], $0x1, s29, s16, $0xb8;
	[tilespmem:$0x1B278] =	vst v63  }
0x209: {  	_ =	swait.ge [sflag:s15], $0x7D0  }
0x20a: {  	[sflag:s15] =	ssyncset.done $0x0  }
0x20b: {  	s0 =	simm.s32 $0x0;
	[sflag:s15] =	ssyncadd.s32 $0xFFFFF830  }
0x20c: {  	[tilespmem:s19], [sflag:$0x7] =	stream.linear.gather [hbm4b:s7+s0], $0x7D0, $0x38;
	[tilespmem:$0x1B278] =	vst v63  }
0x20d: {  	_ =	swait.ge [sflag:s15], $0x7D0  }
0x20e: {  	[sflag:s15] =	ssyncset.done $0x0  }
0x20f: {  	[sflag:s15] =	ssyncadd.s32 $0xFFFFF830  }
0x210: {  	[tilespmem:s26], [sflag:$0x7] =	stream.linear.gather [hbm4b:s8+s0], $0x7D0, $0x38;
	[tilespmem:$0x1B278] =	vst v63  }
0x211: {  	_ =	swait.ge [sflag:s15], $0x7D0  }
0x212: {  	[sflag:s15] =	ssyncset.done $0x0  }
0x213: {  	[sflag:s15] =	ssyncadd.s32 $0xFFFFF830  }
0x214: {  	[tilespmem:s28], [sflag:$0x7] =	stream.indirect.gather [spmem:s2], $0x1, s19, s16, $0xb8;
	[tilespmem:$0x1B278] =	vst v63  }
0x215: {  	_ =	swait.ge [sflag:s15], $0x7D0  }
0x216: {  	[sflag:s15] =	ssyncset.done $0x0  }
0x217: {  	s30 =	simm.s32 $0x0;
	s0 =	simm.s32 $0x40;
	[sflag:s15] =	ssyncadd.s32 $0xFFFFF830  }
.LBB2_23:
0x218: {  	p1 =	sne.s32 s0, $0x1F00;
	v2 =	vld [tilespmem:s30+$0x16AF8]  }
0x219: {  	v3 =	vld [tilespmem:s30+$0x15AF8];
	_ =	sdelay $0x3  }
0x21a: {  	v4 =	vtrunc.f32 v2  }
.Ltmp13:
0x21b: {  	v4 =	vcvt.f32.s32 v4;
	v3 =	vshll.u32 v3, $0x7;
	(pc) =	sbr.rel @p1 .LBB2_23-.Ltmp13, $4  }
0x21c: {  	v3 =	vor.u32 $0x7F, v3  }
0x21d: {  	[tilespmem:s30+$0x17AF8] =	vst v3;
	vm0 =	vgt.s32 v4, $0x7D  }
0x21e: {  	v2 =	vnsel vm0, $0x0, v2  }
0x21f: {  	[tilespmem:s30+$0x16AF8] =	vst v2;
	s30 =	sshra.s32 s0, $0x2;
	s0 =	sadd.s32 $0x40, s0  }
0x220: {  	v2 =	vld [tilespmem:s30+$0x16AF8];
	_ =	sdelay $0x1  }
0x221: {  	v3 =	vld [tilespmem:s30+$0x15AF8];
	_ =	sdelay $0x2  }
0x222: {  	v4 =	vtrunc.f32 v2  }
0x223: {  	v4 =	vcvt.f32.s32 v4  }
0x224: {  	v3 =	vshll.u32 v3, $0x7  }
0x225: {  	v3 =	vor.u32 $0x7F, v3;
	vm0 =	vgt.s32 v4, $0x7D  }
0x226: {  	[tilespmem:s30+$0x17AF8] =	vst v3;
	v2 =	vnsel vm0, $0x0, v2  }
0x227: {  	[tilespmem:s30+$0x16AF8] =	vst v2  }
0x228: {  	[spmem:s1] =	stream.indirect.scatter.add.f32 [tilespmem:s28], [sflag:$0x7], $0x1, s29, s16, $0xb8;
	[tilespmem:$0x1B278] =	vst v63  }
0x229: {  	_ =	swait.ge [sflag:s15], $0x7D0  }
0x22a: {  	[sflag:s15] =	ssyncset.done $0x0  }
0x22b: {  	s0 =	simm.s32 $0x0;
	[sflag:s15] =	ssyncadd.s32 $0xFFFFF830  }
0x22c: {  	[tilespmem:s19], [sflag:$0x7] =	stream.linear.gather [hbm4b:s9+s0], $0x7D0, $0x38;
	[tilespmem:$0x1B278] =	vst v63  }
0x22d: {  	_ =	swait.ge [sflag:s15], $0x7D0  }
0x22e: {  	[sflag:s15] =	ssyncset.done $0x0  }
0x22f: {  	[sflag:s15] =	ssyncadd.s32 $0xFFFFF830  }
0x230: {  	[tilespmem:s26], [sflag:$0x7] =	stream.linear.gather [hbm4b:s10+s0], $0x7D0, $0x38;
	[tilespmem:$0x1B278] =	vst v63  }
0x231: {  	_ =	swait.ge [sflag:s15], $0x7D0  }
0x232: {  	[sflag:s15] =	ssyncset.done $0x0  }
0x233: {  	[sflag:s15] =	ssyncadd.s32 $0xFFFFF830  }
0x234: {  	[tilespmem:s28], [sflag:$0x7] =	stream.indirect.gather [spmem:s2], $0x1, s19, s16, $0xb8;
	[tilespmem:$0x1B278] =	vst v63  }
0x235: {  	_ =	swait.ge [sflag:s15], $0x7D0  }
0x236: {  	[sflag:s15] =	ssyncset.done $0x0  }
0x237: {  	s30 =	simm.s32 $0x0;
	s0 =	simm.s32 $0x40;
	[sflag:s15] =	ssyncadd.s32 $0xFFFFF830  }
.LBB2_25:
0x238: {  	p1 =	sne.s32 s0, $0x1F00;
	v2 =	vld [tilespmem:s30+$0x16AF8]  }
0x239: {  	v3 =	vld [tilespmem:s30+$0x15AF8];
	_ =	sdelay $0x3  }
0x23a: {  	v4 =	vtrunc.f32 v2  }
.Ltmp14:
0x23b: {  	v4 =	vcvt.f32.s32 v4;
	v3 =	vshll.u32 v3, $0x7;
	(pc) =	sbr.rel @p1 .LBB2_25-.Ltmp14, $4  }
0x23c: {  	v3 =	vor.u32 $0x7F, v3  }
0x23d: {  	[tilespmem:s30+$0x17AF8] =	vst v3;
	vm0 =	vgt.s32 v4, $0x7D  }
0x23e: {  	v2 =	vnsel vm0, $0x0, v2  }
0x23f: {  	[tilespmem:s30+$0x16AF8] =	vst v2;
	s30 =	sshra.s32 s0, $0x2;
	s0 =	sadd.s32 $0x40, s0  }
.Ltmp15:
0x240: {  	_ = 	snop;
	(pc) =	sbr.rel .LBB2_26-.Ltmp15, $1  }
0x241: {  	_ =	sdelay $0x3  }
.LBB2_28:
0x242: {  	_ =	sfence.sel $0x180000  }
0x243: {  	[bflag:$0x0] =	sbarrier.arrive $0xFFFF  }
0x244: {  	_ =	strace $0x90000047  }
0x245: {  	[bflag:$0x2] =	sbarrier.arrive $0xFFFF  }
0x246: {  	s0 =	rddreg [dreg:$0x3]  }
0x247: {  	s0 =	sadd.s32 @!p0 $0x100000, s0  }
0x248: {  	[sflag:s0] =	ssyncadd.tile.s32 @!p0 $0x1;
	_ =	shalt  }
.Lfunc_end2:
_tile_overlayer_lowered:
.L_overlay_start_2:
0x249: {  	(tag) =	ssettag $0x2  }
0x24a: {  	s0 =	rddreg [dreg:$0x0];
	s2 =	stileid.u32  }
0x24b: {  	s1 =	rddreg [dreg:$0x1];
	p0 =	sne.s32 s2, $0x0  }
0x24c: {  	s3 =	rddreg [dreg:$0x2];
	[bflag:$0x3] =	sbarrier.arrive $0xFFFF;
	s2 =	simm.s32 @!p0 $0x1C07  }
0x24d: {  	[timem:s3], [sflag:s2] =	dma.local @!p0 [hbm:s0], s1  }
0x24e: {  	s0 =	simm.s32 @!p0 $0x7  }
0x24f: {  	_ =	swait.ge @!p0 [sflag:s0], s1  }
0x250: {  	s1 =	ssub.s32 @!p0 $0x0, s1;
	[sflag:s0] =	ssyncset.done @!p0 $0x0  }
0x251: {  	[sflag:s0] =	ssyncadd.s32 @!p0 s1  }
0x252: {  	[bflag:$0x3] =	sbarrier.arrive $0xFFFF  }
0x253: {  	_ =	shalt  }

</sc_bundles>
